<compile_context>
chip_gen: v7x
topology: tpu7x:2x2x1
jax: 0.10.2.dev20260603
libtpu: 0.0.44.dev20260713+nightly
codegen_flags: <defaults>
</compile_context>

<pallas_src>
import jax
import jax.numpy as jnp
from jax.experimental import pallas as pl
from jax.experimental.pallas import tpu as pltpu
from jax.experimental.pallas import tpu_sc as plsc


_NUM_WORKERS = 32


def _sc_gather(user_emb, movie_emb, uids, mids):
    B = uids.shape[0]
    D = user_emb.shape[1]
    per_w = B // _NUM_WORKERS
    half = per_w // 2
    mesh = plsc.VectorSubcoreMesh(core_axis_name="core", subcore_axis_name="subcore")

    n_chunks = 4
    chunk = per_w // n_chunks
    n_bufs = 4

    @pl.kernel(
        out_type=jax.ShapeDtypeStruct((B, 2 * D), user_emb.dtype),
        mesh=mesh,
        scratch_types=[
            pltpu.VMEM((half,), jnp.int32),
            pltpu.VMEM((half,), jnp.int32),
            pltpu.VMEM((half,), jnp.int32),
            pltpu.VMEM((half,), jnp.int32),
            pltpu.VMEM((chunk, D), jnp.float32),
            pltpu.VMEM((chunk, D), jnp.float32),
            pltpu.VMEM((chunk, D), jnp.float32),
            pltpu.VMEM((chunk, D), jnp.float32),
            pltpu.SemaphoreType.DMA,
            pltpu.SemaphoreType.DMA,
            pltpu.SemaphoreType.DMA,
            pltpu.SemaphoreType.DMA,
            pltpu.SemaphoreType.DMA,
            pltpu.SemaphoreType.DMA,
        ],
    )
    def gather_kernel(ue_hbm, me_hbm, ui_hbm, mi_hbm, ox_hbm,
                      iu0, iu1, im0, im1, buf0, buf1, buf2, buf3,
                      sem0, sem1, sem2, sem3, sem_iu, sem_im):
        wid = (jax.lax.axis_index("subcore") * 2 + jax.lax.axis_index("core"))
        base = wid * per_w
        iu_cps = [
            pltpu.async_copy(ui_hbm.at[pl.ds(base, half)], iu0, sem_iu),
            pltpu.async_copy(ui_hbm.at[pl.ds(base + half, half)], iu1, sem_iu),
        ]
        im_cps = [
            pltpu.async_copy(mi_hbm.at[pl.ds(base, half)], im0, sem_im),
            pltpu.async_copy(mi_hbm.at[pl.ds(base + half, half)], im1, sem_im),
        ]
        for cp in iu_cps:
            cp.wait()
        items = []
        for t_hbm, ia, ib, col in ((ue_hbm, iu0, iu1, 0),
                                   (me_hbm, im0, im1, D)):
            for j in range(n_chunks):
                iref = ia if j < 2 else ib
                ioff = (j % 2) * chunk
                items.append((t_hbm, iref, ioff, col, j * chunk))
        bufs = (buf0, buf1, buf2, buf3)
        sems = (sem0, sem1, sem2, sem3)
        n = len(items)
        pending = [None] * n

        def start(i):
            t_hbm, iref, ioff, _, _ = items[i]
            pending[i] = pltpu.async_copy(
                t_hbm.at[iref.at[pl.ds(ioff, chunk)]],
                bufs[i % n_bufs], sems[i % n_bufs])

        for i in range(n_bufs - 1):
            start(i)
        for cp in im_cps:
            cp.wait()
        for i in range(n):
            pending[i].wait()
            _, _, _, col, off = items[i]
            if i + n_bufs - 1 < n:
                start(i + n_bufs - 1)
            pltpu.sync_copy(bufs[i % n_bufs],
                            ox_hbm.at[pl.ds(base + off, chunk), pl.ds(col, D)])

    return gather_kernel(user_emb, movie_emb, uids, mids)


_MLP_BLOCK = 8192


def _mlp_body(x_ref, w1_ref, b1_ref, w2_ref, b2_ref,
              w3_ref, b3_ref, o_ref):
    h = jax.lax.dot_general(x_ref[...], w1_ref[...], (((1,), (1,)), ((), ())),
                            preferred_element_type=jnp.float32)
    h = jnp.maximum(h + b1_ref[...].reshape(1, -1), 0.0)
    h2t = jax.lax.dot_general(w2_ref[...], h, (((1,), (1,)), ((), ())),
                              preferred_element_type=jnp.float32)
    h2t = jnp.maximum(h2t + b2_ref[...].reshape(-1, 1), 0.0)
    ot = jax.lax.dot_general(w3_ref[...], h2t, (((1,), (0,)), ((), ())),
                             preferred_element_type=jnp.float32)
    o_ref[...] = ot + b3_ref[0]


def _mlp(x, W1, b1, W2, b2, W3, b3):
    B, D2 = x.shape
    grid = (B // _MLP_BLOCK,)
    out_t = pl.pallas_call(
        _mlp_body,
        grid=grid,
        in_specs=[
            pl.BlockSpec((_MLP_BLOCK, D2), lambda i: (i, 0)),
            pl.BlockSpec(W1.shape, lambda i: (0, 0)),
            pl.BlockSpec(b1.shape, lambda i: (0,)),
            pl.BlockSpec(W2.shape, lambda i: (0, 0)),
            pl.BlockSpec(b2.shape, lambda i: (0,)),
            pl.BlockSpec(W3.shape, lambda i: (0, 0)),
            pl.BlockSpec(b3.shape, lambda i: (0,)),
        ],
        out_specs=pl.BlockSpec((1, _MLP_BLOCK), lambda i: (0, i)),
        out_shape=jax.ShapeDtypeStruct((1, B), jnp.float32),
        compiler_params=pltpu.CompilerParams(
            dimension_semantics=("parallel",),
        ),
    )(x, W1, b1, W2, b2, W3, b3)
    return out_t.reshape(B)


def kernel(user_ids, movie_ids, user_emb, movie_emb, W1, b1, W2, b2, W3, b3):
    x = _sc_gather(user_emb, movie_emb, user_ids, movie_ids)
    return _mlp(x, W1, b1, W2, b2, W3, b3)

# --- scband reference (transcript-rebuilt; emitter-appended) ---
"""Pipeline reference for scband-ncf-49512382988700 (READ-ONLY COPY).

The authoritative reference and input builder live on the scoring server;
editing this copy changes nothing except your own understanding.
"""

import jax, jax.numpy as jnp
import numpy as np

NUM_USERS = 100000
NUM_MOVIES = 100000
EMBED_DIM = 128
BATCH = 16384


def setup_inputs(seed: int = 0) -> dict:
    key = jax.random.key(seed)
    ks = jax.random.split(key, 12)
    user_ids = jax.random.randint(ks[0], (BATCH,), 0, NUM_USERS, dtype=jnp.int64 if jax.config.jax_enable_x64 else jnp.int32)
    movie_ids = jax.random.randint(ks[1], (BATCH,), 0, NUM_MOVIES, dtype=jnp.int64 if jax.config.jax_enable_x64 else jnp.int32)
    user_emb = jax.random.normal(ks[2], (NUM_USERS, EMBED_DIM), dtype=jnp.float32)
    movie_emb = jax.random.normal(ks[3], (NUM_MOVIES, EMBED_DIM), dtype=jnp.float32)
    # Linear layers, torch convention: y = x @ W.T + b
    W1 = jax.random.normal(ks[4], (128, EMBED_DIM * 2), dtype=jnp.float32) * (1.0 / np.sqrt(EMBED_DIM * 2))
    b1 = jnp.zeros((128,), dtype=jnp.float32)
    W2 = jax.random.normal(ks[5], (64, 128), dtype=jnp.float32) * (1.0 / np.sqrt(128))
    b2 = jnp.zeros((64,), dtype=jnp.float32)
    W3 = jax.random.normal(ks[6], (1, 64), dtype=jnp.float32) * (1.0 / np.sqrt(64))
    b3 = jnp.zeros((1,), dtype=jnp.float32)
    return {
        "user_ids": user_ids,
        "movie_ids": movie_ids,
        "user_emb": user_emb,
        "movie_emb": movie_emb,
        "W1": W1, "b1": b1,
        "W2": W2, "b2": b2,
        "W3": W3, "b3": b3,
    }


def reference(user_ids, movie_ids, user_emb, movie_emb, W1, b1, W2, b2, W3, b3):
    user_embeds = jnp.take(user_emb, user_ids, axis=0)
    movie_embeds = jnp.take(movie_emb, movie_ids, axis=0)
    x = jnp.concatenate([user_embeds, movie_embeds], axis=-1)
    h = jax.nn.relu(x @ W1.T + b1)
    h = jax.nn.relu(h @ W2.T + b2)
    out = h @ W3.T + b3
    return jnp.squeeze(out)

if __name__ == "__main__":
    import jax
    _d = setup_inputs()
    print(jax.jit(kernel)(*tuple(_d.values())))

</pallas_src>

<mosaic_0001>
#map = affine_map<(d0, d1) -> (0, 0)>
#map1 = affine_map<(d0, d1) -> (0)>
module attributes {stable_mosaic.version = 14 : i64} {
  func.func @gather_kernel(%arg0: i32, %arg1: i32, %arg2: memref<100000x128xf32, #tpu.memory_space<hbm>>, %arg3: memref<100000x128xf32, #tpu.memory_space<hbm>>, %arg4: memref<16384xi32, #tpu.memory_space<hbm>>, %arg5: memref<16384xi32, #tpu.memory_space<hbm>>, %arg6: memref<16384x256xf32, #tpu.memory_space<hbm>>, %arg7: memref<256xi32, #tpu.memory_space<vmem>>, %arg8: memref<256xi32, #tpu.memory_space<vmem>>, %arg9: memref<256xi32, #tpu.memory_space<vmem>>, %arg10: memref<256xi32, #tpu.memory_space<vmem>>, %arg11: memref<128x128xf32, #tpu.memory_space<vmem>>, %arg12: memref<128x128xf32, #tpu.memory_space<vmem>>, %arg13: memref<128x128xf32, #tpu.memory_space<vmem>>, %arg14: memref<128x128xf32, #tpu.memory_space<vmem>>, %arg15: memref<!tpu.dma_semaphore, #tpu.memory_space<semaphore_mem>>, %arg16: memref<!tpu.dma_semaphore, #tpu.memory_space<semaphore_mem>>, %arg17: memref<!tpu.dma_semaphore, #tpu.memory_space<semaphore_mem>>, %arg18: memref<!tpu.dma_semaphore, #tpu.memory_space<semaphore_mem>>, %arg19: memref<!tpu.dma_semaphore, #tpu.memory_space<semaphore_mem>>, %arg20: memref<!tpu.dma_semaphore, #tpu.memory_space<semaphore_mem>>) attributes {dimension_semantics = [#tpu.dimension_semantics<core_parallel>, #tpu.dimension_semantics<subcore_parallel>], iteration_bounds = array<i64: 2, 16>, scalar_prefetch = 0 : i64, scratch_operands = 14 : i64, tpu.core_type = #tpu.core_type<sc_vector_subcore>, window_params = [{transform_indices = #map}, {transform_indices = #map}, {transform_indices = #map1}, {transform_indices = #map1}, {transform_indices = #map}]} {
    %mul3A = arith.constant 2 : i32
    %mul3A_0 = arith.muli %arg1, %mul3A : i32
    %add3A = arith.addi %mul3A_0, %arg0 : i32
    %mul3A_1 = arith.constant 512 : i32
    %mul3A_2 = arith.muli %add3A, %mul3A_1 : i32
    %dma_start3A = tpu.memref_slice %arg4[%mul3A_2] : memref<16384xi32, #tpu.memory_space<hbm>> -> memref<256xi32, #tpu.memory_space<hbm>>
    %dma_start3A_3 = tpu.memref_slice %arg4[%mul3A_2] : memref<16384xi32, #tpu.memory_space<hbm>> -> memref<256xi32, #tpu.memory_space<hbm>>
    tpu.enqueue_dma source(%dma_start3A_3 : memref<256xi32, #tpu.memory_space<hbm>>) target(%arg7 : memref<256xi32, #tpu.memory_space<vmem>>) target_semaphore(%arg19 : memref<!tpu.dma_semaphore, #tpu.memory_space<semaphore_mem>>)
    %add3A_4 = arith.constant 256 : i32
    %add3A_5 = arith.addi %mul3A_2, %add3A_4 : i32
    %dma_start3A_6 = tpu.memref_slice %arg4[%add3A_5] : memref<16384xi32, #tpu.memory_space<hbm>> -> memref<256xi32, #tpu.memory_space<hbm>>
    %dma_start3A_7 = tpu.memref_slice %arg4[%add3A_5] : memref<16384xi32, #tpu.memory_space<hbm>> -> memref<256xi32, #tpu.memory_space<hbm>>
    tpu.enqueue_dma source(%dma_start3A_7 : memref<256xi32, #tpu.memory_space<hbm>>) target(%arg8 : memref<256xi32, #tpu.memory_space<vmem>>) target_semaphore(%arg19 : memref<!tpu.dma_semaphore, #tpu.memory_space<semaphore_mem>>)
    %dma_start3A_8 = tpu.memref_slice %arg5[%mul3A_2] : memref<16384xi32, #tpu.memory_space<hbm>> -> memref<256xi32, #tpu.memory_space<hbm>>
    %dma_start3A_9 = tpu.memref_slice %arg5[%mul3A_2] : memref<16384xi32, #tpu.memory_space<hbm>> -> memref<256xi32, #tpu.memory_space<hbm>>
    tpu.enqueue_dma source(%dma_start3A_9 : memref<256xi32, #tpu.memory_space<hbm>>) target(%arg9 : memref<256xi32, #tpu.memory_space<vmem>>) target_semaphore(%arg20 : memref<!tpu.dma_semaphore, #tpu.memory_space<semaphore_mem>>)
    %add3A_10 = arith.constant 256 : i32
    %add3A_11 = arith.addi %mul3A_2, %add3A_10 : i32
    %dma_start3A_12 = tpu.memref_slice %arg5[%add3A_11] : memref<16384xi32, #tpu.memory_space<hbm>> -> memref<256xi32, #tpu.memory_space<hbm>>
    %dma_start3A_13 = tpu.memref_slice %arg5[%add3A_11] : memref<16384xi32, #tpu.memory_space<hbm>> -> memref<256xi32, #tpu.memory_space<hbm>>
    tpu.enqueue_dma source(%dma_start3A_13 : memref<256xi32, #tpu.memory_space<hbm>>) target(%arg10 : memref<256xi32, #tpu.memory_space<vmem>>) target_semaphore(%arg20 : memref<!tpu.dma_semaphore, #tpu.memory_space<semaphore_mem>>)
    %dma_wait3A = tpu.memref_slice %arg4[%mul3A_2] : memref<16384xi32, #tpu.memory_space<hbm>> -> memref<256xi32, #tpu.memory_space<hbm>>
    %dma_wait3A_14 = tpu.memref_slice %arg4[%mul3A_2] : memref<16384xi32, #tpu.memory_space<hbm>> -> memref<256xi32, #tpu.memory_space<hbm>>
    tpu.wait_dma2 semaphore(%arg19 : memref<!tpu.dma_semaphore, #tpu.memory_space<semaphore_mem>>) src(%dma_wait3A_14 : memref<256xi32, #tpu.memory_space<hbm>>) dst(%arg7 : memref<256xi32, #tpu.memory_space<vmem>>)
    %dma_wait3A_15 = tpu.memref_slice %arg4[%add3A_5] : memref<16384xi32, #tpu.memory_space<hbm>> -> memref<256xi32, #tpu.memory_space<hbm>>
    %dma_wait3A_16 = tpu.memref_slice %arg4[%add3A_5] : memref<16384xi32, #tpu.memory_space<hbm>> -> memref<256xi32, #tpu.memory_space<hbm>>
    tpu.wait_dma2 semaphore(%arg19 : memref<!tpu.dma_semaphore, #tpu.memory_space<semaphore_mem>>) src(%dma_wait3A_16 : memref<256xi32, #tpu.memory_space<hbm>>) dst(%arg8 : memref<256xi32, #tpu.memory_space<vmem>>)
    %dma_start3A_17 = arith.constant 0 : i32
    %dma_start3A_18 = tpu.memref_slice %arg7[%dma_start3A_17] : memref<256xi32, #tpu.memory_space<vmem>> -> memref<128xi32, #tpu.memory_space<vmem>>
    %dma_start3A_19 = arith.constant 0 : i32
    %dma_start3A_20 = arith.constant 0 : i32
    %dma_start3A_21 = tpu.memref_slice %arg2[%dma_start3A_19, %dma_start3A_20] : memref<100000x128xf32, #tpu.memory_space<hbm>> -> memref<100000x128xf32, #tpu.memory_space<hbm>>
    tpu.enqueue_indirect_dma source(%dma_start3A_21 : memref<100000x128xf32, #tpu.memory_space<hbm>>) target(%arg11 : memref<128x128xf32, #tpu.memory_space<vmem>>) offsets(%dma_start3A_18 : memref<128xi32, #tpu.memory_space<vmem>>) semaphore(%arg15 : memref<!tpu.dma_semaphore, #tpu.memory_space<semaphore_mem>>)
    %dma_start3A_22 = arith.constant 128 : i32
    %dma_start3A_23 = tpu.memref_slice %arg7[%dma_start3A_22] : memref<256xi32, #tpu.memory_space<vmem>> -> memref<128xi32, #tpu.memory_space<vmem>>
    %dma_start3A_24 = arith.constant 0 : i32
    %dma_start3A_25 = arith.constant 0 : i32
    %dma_start3A_26 = tpu.memref_slice %arg2[%dma_start3A_24, %dma_start3A_25] : memref<100000x128xf32, #tpu.memory_space<hbm>> -> memref<100000x128xf32, #tpu.memory_space<hbm>>
    tpu.enqueue_indirect_dma source(%dma_start3A_26 : memref<100000x128xf32, #tpu.memory_space<hbm>>) target(%arg12 : memref<128x128xf32, #tpu.memory_space<vmem>>) offsets(%dma_start3A_23 : memref<128xi32, #tpu.memory_space<vmem>>) semaphore(%arg16 : memref<!tpu.dma_semaphore, #tpu.memory_space<semaphore_mem>>)
    %dma_start3A_27 = arith.constant 0 : i32
    %dma_start3A_28 = tpu.memref_slice %arg8[%dma_start3A_27] : memref<256xi32, #tpu.memory_space<vmem>> -> memref<128xi32, #tpu.memory_space<vmem>>
    %dma_start3A_29 = arith.constant 0 : i32
    %dma_start3A_30 = arith.constant 0 : i32
    %dma_start3A_31 = tpu.memref_slice %arg2[%dma_start3A_29, %dma_start3A_30] : memref<100000x128xf32, #tpu.memory_space<hbm>> -> memref<100000x128xf32, #tpu.memory_space<hbm>>
    tpu.enqueue_indirect_dma source(%dma_start3A_31 : memref<100000x128xf32, #tpu.memory_space<hbm>>) target(%arg13 : memref<128x128xf32, #tpu.memory_space<vmem>>) offsets(%dma_start3A_28 : memref<128xi32, #tpu.memory_space<vmem>>) semaphore(%arg17 : memref<!tpu.dma_semaphore, #tpu.memory_space<semaphore_mem>>)
    %dma_wait3A_32 = tpu.memref_slice %arg5[%mul3A_2] : memref<16384xi32, #tpu.memory_space<hbm>> -> memref<256xi32, #tpu.memory_space<hbm>>
    %dma_wait3A_33 = tpu.memref_slice %arg5[%mul3A_2] : memref<16384xi32, #tpu.memory_space<hbm>> -> memref<256xi32, #tpu.memory_space<hbm>>
    tpu.wait_dma2 semaphore(%arg20 : memref<!tpu.dma_semaphore, #tpu.memory_space<semaphore_mem>>) src(%dma_wait3A_33 : memref<256xi32, #tpu.memory_space<hbm>>) dst(%arg9 : memref<256xi32, #tpu.memory_space<vmem>>)
    %dma_wait3A_34 = tpu.memref_slice %arg5[%add3A_11] : memref<16384xi32, #tpu.memory_space<hbm>> -> memref<256xi32, #tpu.memory_space<hbm>>
    %dma_wait3A_35 = tpu.memref_slice %arg5[%add3A_11] : memref<16384xi32, #tpu.memory_space<hbm>> -> memref<256xi32, #tpu.memory_space<hbm>>
    tpu.wait_dma2 semaphore(%arg20 : memref<!tpu.dma_semaphore, #tpu.memory_space<semaphore_mem>>) src(%dma_wait3A_35 : memref<256xi32, #tpu.memory_space<hbm>>) dst(%arg10 : memref<256xi32, #tpu.memory_space<vmem>>)
    %dma_wait3A_36 = arith.constant 0 : i32
    %dma_wait3A_37 = tpu.memref_slice %arg7[%dma_wait3A_36] : memref<256xi32, #tpu.memory_space<vmem>> -> memref<128xi32, #tpu.memory_space<vmem>>
    %dma_wait3A_38 = arith.constant 0 : i32
    %dma_wait3A_39 = arith.constant 0 : i32
    %dma_wait3A_40 = tpu.memref_slice %arg2[%dma_wait3A_38, %dma_wait3A_39] : memref<100000x128xf32, #tpu.memory_space<hbm>> -> memref<100000x128xf32, #tpu.memory_space<hbm>>
    tpu.wait_indirect_dma semaphore(%arg15 : memref<!tpu.dma_semaphore, #tpu.memory_space<semaphore_mem>>) src(%dma_wait3A_40 : memref<100000x128xf32, #tpu.memory_space<hbm>>) dst(%arg11 : memref<128x128xf32, #tpu.memory_space<vmem>>)
    %dma_start3A_41 = arith.constant 128 : i32
    %dma_start3A_42 = tpu.memref_slice %arg8[%dma_start3A_41] : memref<256xi32, #tpu.memory_space<vmem>> -> memref<128xi32, #tpu.memory_space<vmem>>
    %dma_start3A_43 = arith.constant 0 : i32
    %dma_start3A_44 = arith.constant 0 : i32
    %dma_start3A_45 = tpu.memref_slice %arg2[%dma_start3A_43, %dma_start3A_44] : memref<100000x128xf32, #tpu.memory_space<hbm>> -> memref<100000x128xf32, #tpu.memory_space<hbm>>
    tpu.enqueue_indirect_dma source(%dma_start3A_45 : memref<100000x128xf32, #tpu.memory_space<hbm>>) target(%arg14 : memref<128x128xf32, #tpu.memory_space<vmem>>) offsets(%dma_start3A_42 : memref<128xi32, #tpu.memory_space<vmem>>) semaphore(%arg18 : memref<!tpu.dma_semaphore, #tpu.memory_space<semaphore_mem>>)
    %add3A_46 = arith.constant 0 : i32
    %add3A_47 = arith.addi %mul3A_2, %add3A_46 : i32
    "tpu.region"() ({
      %run_scoped3A = tpu.sem_alloc : memref<!tpu.dma_semaphore, #tpu.memory_space<semaphore_mem>>
      %dma_start3A_117 = arith.constant 0 : i32
      %dma_start3A_118 = tpu.memref_slice %arg6[%add3A_47, %dma_start3A_117] : memref<16384x256xf32, #tpu.memory_space<hbm>> -> memref<128x128xf32, #tpu.memory_space<hbm>>
      %dma_start3A_119 = arith.constant 0 : i32
      %dma_start3A_120 = tpu.memref_slice %arg6[%add3A_47, %dma_start3A_119] : memref<16384x256xf32, #tpu.memory_space<hbm>> -> memref<128x128xf32, #tpu.memory_space<hbm>>
      tpu.enqueue_dma source(%arg11 : memref<128x128xf32, #tpu.memory_space<vmem>>) target(%dma_start3A_120 : memref<128x128xf32, #tpu.memory_space<hbm>>) target_semaphore(%run_scoped3A : memref<!tpu.dma_semaphore, #tpu.memory_space<semaphore_mem>>)
      %dma_wait3A_121 = arith.constant 0 : i32
      %dma_wait3A_122 = tpu.memref_slice %arg6[%add3A_47, %dma_wait3A_121] : memref<16384x256xf32, #tpu.memory_space<hbm>> -> memref<128x128xf32, #tpu.memory_space<hbm>>
      %dma_wait3A_123 = arith.constant 0 : i32
      %dma_wait3A_124 = tpu.memref_slice %arg6[%add3A_47, %dma_wait3A_123] : memref<16384x256xf32, #tpu.memory_space<hbm>> -> memref<128x128xf32, #tpu.memory_space<hbm>>
      tpu.wait_dma2 semaphore(%run_scoped3A : memref<!tpu.dma_semaphore, #tpu.memory_space<semaphore_mem>>) src(%arg11 : memref<128x128xf32, #tpu.memory_space<vmem>>) dst(%dma_wait3A_124 : memref<128x128xf32, #tpu.memory_space<hbm>>)
      tpu.yield
    }) : () -> ()
    %dma_wait3A_48 = arith.constant 128 : i32
    %dma_wait3A_49 = tpu.memref_slice %arg7[%dma_wait3A_48] : memref<256xi32, #tpu.memory_space<vmem>> -> memref<128xi32, #tpu.memory_space<vmem>>
    %dma_wait3A_50 = arith.constant 0 : i32
    %dma_wait3A_51 = arith.constant 0 : i32
    %dma_wait3A_52 = tpu.memref_slice %arg2[%dma_wait3A_50, %dma_wait3A_51] : memref<100000x128xf32, #tpu.memory_space<hbm>> -> memref<100000x128xf32, #tpu.memory_space<hbm>>
    tpu.wait_indirect_dma semaphore(%arg16 : memref<!tpu.dma_semaphore, #tpu.memory_space<semaphore_mem>>) src(%dma_wait3A_52 : memref<100000x128xf32, #tpu.memory_space<hbm>>) dst(%arg12 : memref<128x128xf32, #tpu.memory_space<vmem>>)
    %dma_start3A_53 = arith.constant 0 : i32
    %dma_start3A_54 = tpu.memref_slice %arg9[%dma_start3A_53] : memref<256xi32, #tpu.memory_space<vmem>> -> memref<128xi32, #tpu.memory_space<vmem>>
    %dma_start3A_55 = arith.constant 0 : i32
    %dma_start3A_56 = arith.constant 0 : i32
    %dma_start3A_57 = tpu.memref_slice %arg3[%dma_start3A_55, %dma_start3A_56] : memref<100000x128xf32, #tpu.memory_space<hbm>> -> memref<100000x128xf32, #tpu.memory_space<hbm>>
    tpu.enqueue_indirect_dma source(%dma_start3A_57 : memref<100000x128xf32, #tpu.memory_space<hbm>>) target(%arg11 : memref<128x128xf32, #tpu.memory_space<vmem>>) offsets(%dma_start3A_54 : memref<128xi32, #tpu.memory_space<vmem>>) semaphore(%arg15 : memref<!tpu.dma_semaphore, #tpu.memory_space<semaphore_mem>>)
    %add3A_58 = arith.constant 128 : i32
    %add3A_59 = arith.addi %mul3A_2, %add3A_58 : i32
    "tpu.region"() ({
      %run_scoped3A = tpu.sem_alloc : memref<!tpu.dma_semaphore, #tpu.memory_space<semaphore_mem>>
      %dma_start3A_117 = arith.constant 0 : i32
      %dma_start3A_118 = tpu.memref_slice %arg6[%add3A_59, %dma_start3A_117] : memref<16384x256xf32, #tpu.memory_space<hbm>> -> memref<128x128xf32, #tpu.memory_space<hbm>>
      %dma_start3A_119 = arith.constant 0 : i32
      %dma_start3A_120 = tpu.memref_slice %arg6[%add3A_59, %dma_start3A_119] : memref<16384x256xf32, #tpu.memory_space<hbm>> -> memref<128x128xf32, #tpu.memory_space<hbm>>
      tpu.enqueue_dma source(%arg12 : memref<128x128xf32, #tpu.memory_space<vmem>>) target(%dma_start3A_120 : memref<128x128xf32, #tpu.memory_space<hbm>>) target_semaphore(%run_scoped3A : memref<!tpu.dma_semaphore, #tpu.memory_space<semaphore_mem>>)
      %dma_wait3A_121 = arith.constant 0 : i32
      %dma_wait3A_122 = tpu.memref_slice %arg6[%add3A_59, %dma_wait3A_121] : memref<16384x256xf32, #tpu.memory_space<hbm>> -> memref<128x128xf32, #tpu.memory_space<hbm>>
      %dma_wait3A_123 = arith.constant 0 : i32
      %dma_wait3A_124 = tpu.memref_slice %arg6[%add3A_59, %dma_wait3A_123] : memref<16384x256xf32, #tpu.memory_space<hbm>> -> memref<128x128xf32, #tpu.memory_space<hbm>>
      tpu.wait_dma2 semaphore(%run_scoped3A : memref<!tpu.dma_semaphore, #tpu.memory_space<semaphore_mem>>) src(%arg12 : memref<128x128xf32, #tpu.memory_space<vmem>>) dst(%dma_wait3A_124 : memref<128x128xf32, #tpu.memory_space<hbm>>)
      tpu.yield
    }) : () -> ()
    %dma_wait3A_60 = arith.constant 0 : i32
    %dma_wait3A_61 = tpu.memref_slice %arg8[%dma_wait3A_60] : memref<256xi32, #tpu.memory_space<vmem>> -> memref<128xi32, #tpu.memory_space<vmem>>
    %dma_wait3A_62 = arith.constant 0 : i32
    %dma_wait3A_63 = arith.constant 0 : i32
    %dma_wait3A_64 = tpu.memref_slice %arg2[%dma_wait3A_62, %dma_wait3A_63] : memref<100000x128xf32, #tpu.memory_space<hbm>> -> memref<100000x128xf32, #tpu.memory_space<hbm>>
    tpu.wait_indirect_dma semaphore(%arg17 : memref<!tpu.dma_semaphore, #tpu.memory_space<semaphore_mem>>) src(%dma_wait3A_64 : memref<100000x128xf32, #tpu.memory_space<hbm>>) dst(%arg13 : memref<128x128xf32, #tpu.memory_space<vmem>>)
    %dma_start3A_65 = arith.constant 128 : i32
    %dma_start3A_66 = tpu.memref_slice %arg9[%dma_start3A_65] : memref<256xi32, #tpu.memory_space<vmem>> -> memref<128xi32, #tpu.memory_space<vmem>>
    %dma_start3A_67 = arith.constant 0 : i32
    %dma_start3A_68 = arith.constant 0 : i32
    %dma_start3A_69 = tpu.memref_slice %arg3[%dma_start3A_67, %dma_start3A_68] : memref<100000x128xf32, #tpu.memory_space<hbm>> -> memref<100000x128xf32, #tpu.memory_space<hbm>>
    tpu.enqueue_indirect_dma source(%dma_start3A_69 : memref<100000x128xf32, #tpu.memory_space<hbm>>) target(%arg12 : memref<128x128xf32, #tpu.memory_space<vmem>>) offsets(%dma_start3A_66 : memref<128xi32, #tpu.memory_space<vmem>>) semaphore(%arg16 : memref<!tpu.dma_semaphore, #tpu.memory_space<semaphore_mem>>)
    %add3A_70 = arith.constant 256 : i32
    %add3A_71 = arith.addi %mul3A_2, %add3A_70 : i32
    "tpu.region"() ({
      %run_scoped3A = tpu.sem_alloc : memref<!tpu.dma_semaphore, #tpu.memory_space<semaphore_mem>>
      %dma_start3A_117 = arith.constant 0 : i32
      %dma_start3A_118 = tpu.memref_slice %arg6[%add3A_71, %dma_start3A_117] : memref<16384x256xf32, #tpu.memory_space<hbm>> -> memref<128x128xf32, #tpu.memory_space<hbm>>
      %dma_start3A_119 = arith.constant 0 : i32
      %dma_start3A_120 = tpu.memref_slice %arg6[%add3A_71, %dma_start3A_119] : memref<16384x256xf32, #tpu.memory_space<hbm>> -> memref<128x128xf32, #tpu.memory_space<hbm>>
      tpu.enqueue_dma source(%arg13 : memref<128x128xf32, #tpu.memory_space<vmem>>) target(%dma_start3A_120 : memref<128x128xf32, #tpu.memory_space<hbm>>) target_semaphore(%run_scoped3A : memref<!tpu.dma_semaphore, #tpu.memory_space<semaphore_mem>>)
      %dma_wait3A_121 = arith.constant 0 : i32
      %dma_wait3A_122 = tpu.memref_slice %arg6[%add3A_71, %dma_wait3A_121] : memref<16384x256xf32, #tpu.memory_space<hbm>> -> memref<128x128xf32, #tpu.memory_space<hbm>>
      %dma_wait3A_123 = arith.constant 0 : i32
      %dma_wait3A_124 = tpu.memref_slice %arg6[%add3A_71, %dma_wait3A_123] : memref<16384x256xf32, #tpu.memory_space<hbm>> -> memref<128x128xf32, #tpu.memory_space<hbm>>
      tpu.wait_dma2 semaphore(%run_scoped3A : memref<!tpu.dma_semaphore, #tpu.memory_space<semaphore_mem>>) src(%arg13 : memref<128x128xf32, #tpu.memory_space<vmem>>) dst(%dma_wait3A_124 : memref<128x128xf32, #tpu.memory_space<hbm>>)
      tpu.yield
    }) : () -> ()
    %dma_wait3A_72 = arith.constant 128 : i32
    %dma_wait3A_73 = tpu.memref_slice %arg8[%dma_wait3A_72] : memref<256xi32, #tpu.memory_space<vmem>> -> memref<128xi32, #tpu.memory_space<vmem>>
    %dma_wait3A_74 = arith.constant 0 : i32
    %dma_wait3A_75 = arith.constant 0 : i32
    %dma_wait3A_76 = tpu.memref_slice %arg2[%dma_wait3A_74, %dma_wait3A_75] : memref<100000x128xf32, #tpu.memory_space<hbm>> -> memref<100000x128xf32, #tpu.memory_space<hbm>>
    tpu.wait_indirect_dma semaphore(%arg18 : memref<!tpu.dma_semaphore, #tpu.memory_space<semaphore_mem>>) src(%dma_wait3A_76 : memref<100000x128xf32, #tpu.memory_space<hbm>>) dst(%arg14 : memref<128x128xf32, #tpu.memory_space<vmem>>)
    %dma_start3A_77 = arith.constant 0 : i32
    %dma_start3A_78 = tpu.memref_slice %arg10[%dma_start3A_77] : memref<256xi32, #tpu.memory_space<vmem>> -> memref<128xi32, #tpu.memory_space<vmem>>
    %dma_start3A_79 = arith.constant 0 : i32
    %dma_start3A_80 = arith.constant 0 : i32
    %dma_start3A_81 = tpu.memref_slice %arg3[%dma_start3A_79, %dma_start3A_80] : memref<100000x128xf32, #tpu.memory_space<hbm>> -> memref<100000x128xf32, #tpu.memory_space<hbm>>
    tpu.enqueue_indirect_dma source(%dma_start3A_81 : memref<100000x128xf32, #tpu.memory_space<hbm>>) target(%arg13 : memref<128x128xf32, #tpu.memory_space<vmem>>) offsets(%dma_start3A_78 : memref<128xi32, #tpu.memory_space<vmem>>) semaphore(%arg17 : memref<!tpu.dma_semaphore, #tpu.memory_space<semaphore_mem>>)
    %add3A_82 = arith.constant 384 : i32
    %add3A_83 = arith.addi %mul3A_2, %add3A_82 : i32
    "tpu.region"() ({
      %run_scoped3A = tpu.sem_alloc : memref<!tpu.dma_semaphore, #tpu.memory_space<semaphore_mem>>
      %dma_start3A_117 = arith.constant 0 : i32
      %dma_start3A_118 = tpu.memref_slice %arg6[%add3A_83, %dma_start3A_117] : memref<16384x256xf32, #tpu.memory_space<hbm>> -> memref<128x128xf32, #tpu.memory_space<hbm>>
      %dma_start3A_119 = arith.constant 0 : i32
      %dma_start3A_120 = tpu.memref_slice %arg6[%add3A_83, %dma_start3A_119] : memref<16384x256xf32, #tpu.memory_space<hbm>> -> memref<128x128xf32, #tpu.memory_space<hbm>>
      tpu.enqueue_dma source(%arg14 : memref<128x128xf32, #tpu.memory_space<vmem>>) target(%dma_start3A_120 : memref<128x128xf32, #tpu.memory_space<hbm>>) target_semaphore(%run_scoped3A : memref<!tpu.dma_semaphore, #tpu.memory_space<semaphore_mem>>)
      %dma_wait3A_121 = arith.constant 0 : i32
      %dma_wait3A_122 = tpu.memref_slice %arg6[%add3A_83, %dma_wait3A_121] : memref<16384x256xf32, #tpu.memory_space<hbm>> -> memref<128x128xf32, #tpu.memory_space<hbm>>
      %dma_wait3A_123 = arith.constant 0 : i32
      %dma_wait3A_124 = tpu.memref_slice %arg6[%add3A_83, %dma_wait3A_123] : memref<16384x256xf32, #tpu.memory_space<hbm>> -> memref<128x128xf32, #tpu.memory_space<hbm>>
      tpu.wait_dma2 semaphore(%run_scoped3A : memref<!tpu.dma_semaphore, #tpu.memory_space<semaphore_mem>>) src(%arg14 : memref<128x128xf32, #tpu.memory_space<vmem>>) dst(%dma_wait3A_124 : memref<128x128xf32, #tpu.memory_space<hbm>>)
      tpu.yield
    }) : () -> ()
    %dma_wait3A_84 = arith.constant 0 : i32
    %dma_wait3A_85 = tpu.memref_slice %arg9[%dma_wait3A_84] : memref<256xi32, #tpu.memory_space<vmem>> -> memref<128xi32, #tpu.memory_space<vmem>>
    %dma_wait3A_86 = arith.constant 0 : i32
    %dma_wait3A_87 = arith.constant 0 : i32
    %dma_wait3A_88 = tpu.memref_slice %arg3[%dma_wait3A_86, %dma_wait3A_87] : memref<100000x128xf32, #tpu.memory_space<hbm>> -> memref<100000x128xf32, #tpu.memory_space<hbm>>
    tpu.wait_indirect_dma semaphore(%arg15 : memref<!tpu.dma_semaphore, #tpu.memory_space<semaphore_mem>>) src(%dma_wait3A_88 : memref<100000x128xf32, #tpu.memory_space<hbm>>) dst(%arg11 : memref<128x128xf32, #tpu.memory_space<vmem>>)
    %dma_start3A_89 = arith.constant 128 : i32
    %dma_start3A_90 = tpu.memref_slice %arg10[%dma_start3A_89] : memref<256xi32, #tpu.memory_space<vmem>> -> memref<128xi32, #tpu.memory_space<vmem>>
    %dma_start3A_91 = arith.constant 0 : i32
    %dma_start3A_92 = arith.constant 0 : i32
    %dma_start3A_93 = tpu.memref_slice %arg3[%dma_start3A_91, %dma_start3A_92] : memref<100000x128xf32, #tpu.memory_space<hbm>> -> memref<100000x128xf32, #tpu.memory_space<hbm>>
    tpu.enqueue_indirect_dma source(%dma_start3A_93 : memref<100000x128xf32, #tpu.memory_space<hbm>>) target(%arg14 : memref<128x128xf32, #tpu.memory_space<vmem>>) offsets(%dma_start3A_90 : memref<128xi32, #tpu.memory_space<vmem>>) semaphore(%arg18 : memref<!tpu.dma_semaphore, #tpu.memory_space<semaphore_mem>>)
    %add3A_94 = arith.constant 0 : i32
    %add3A_95 = arith.addi %mul3A_2, %add3A_94 : i32
    "tpu.region"() ({
      %run_scoped3A = tpu.sem_alloc : memref<!tpu.dma_semaphore, #tpu.memory_space<semaphore_mem>>
      %dma_start3A_117 = arith.constant 128 : i32
      %dma_start3A_118 = tpu.memref_slice %arg6[%add3A_95, %dma_start3A_117] : memref<16384x256xf32, #tpu.memory_space<hbm>> -> memref<128x128xf32, #tpu.memory_space<hbm>>
      %dma_start3A_119 = arith.constant 128 : i32
      %dma_start3A_120 = tpu.memref_slice %arg6[%add3A_95, %dma_start3A_119] : memref<16384x256xf32, #tpu.memory_space<hbm>> -> memref<128x128xf32, #tpu.memory_space<hbm>>
      tpu.enqueue_dma source(%arg11 : memref<128x128xf32, #tpu.memory_space<vmem>>) target(%dma_start3A_120 : memref<128x128xf32, #tpu.memory_space<hbm>>) target_semaphore(%run_scoped3A : memref<!tpu.dma_semaphore, #tpu.memory_space<semaphore_mem>>)
      %dma_wait3A_121 = arith.constant 128 : i32
      %dma_wait3A_122 = tpu.memref_slice %arg6[%add3A_95, %dma_wait3A_121] : memref<16384x256xf32, #tpu.memory_space<hbm>> -> memref<128x128xf32, #tpu.memory_space<hbm>>
      %dma_wait3A_123 = arith.constant 128 : i32
      %dma_wait3A_124 = tpu.memref_slice %arg6[%add3A_95, %dma_wait3A_123] : memref<16384x256xf32, #tpu.memory_space<hbm>> -> memref<128x128xf32, #tpu.memory_space<hbm>>
      tpu.wait_dma2 semaphore(%run_scoped3A : memref<!tpu.dma_semaphore, #tpu.memory_space<semaphore_mem>>) src(%arg11 : memref<128x128xf32, #tpu.memory_space<vmem>>) dst(%dma_wait3A_124 : memref<128x128xf32, #tpu.memory_space<hbm>>)
      tpu.yield
    }) : () -> ()
    %dma_wait3A_96 = arith.constant 128 : i32
    %dma_wait3A_97 = tpu.memref_slice %arg9[%dma_wait3A_96] : memref<256xi32, #tpu.memory_space<vmem>> -> memref<128xi32, #tpu.memory_space<vmem>>
    %dma_wait3A_98 = arith.constant 0 : i32
    %dma_wait3A_99 = arith.constant 0 : i32
    %dma_wait3A_100 = tpu.memref_slice %arg3[%dma_wait3A_98, %dma_wait3A_99] : memref<100000x128xf32, #tpu.memory_space<hbm>> -> memref<100000x128xf32, #tpu.memory_space<hbm>>
    tpu.wait_indirect_dma semaphore(%arg16 : memref<!tpu.dma_semaphore, #tpu.memory_space<semaphore_mem>>) src(%dma_wait3A_100 : memref<100000x128xf32, #tpu.memory_space<hbm>>) dst(%arg12 : memref<128x128xf32, #tpu.memory_space<vmem>>)
    %add3A_101 = arith.constant 128 : i32
    %add3A_102 = arith.addi %mul3A_2, %add3A_101 : i32
    "tpu.region"() ({
      %run_scoped3A = tpu.sem_alloc : memref<!tpu.dma_semaphore, #tpu.memory_space<semaphore_mem>>
      %dma_start3A_117 = arith.constant 128 : i32
      %dma_start3A_118 = tpu.memref_slice %arg6[%add3A_102, %dma_start3A_117] : memref<16384x256xf32, #tpu.memory_space<hbm>> -> memref<128x128xf32, #tpu.memory_space<hbm>>
      %dma_start3A_119 = arith.constant 128 : i32
      %dma_start3A_120 = tpu.memref_slice %arg6[%add3A_102, %dma_start3A_119] : memref<16384x256xf32, #tpu.memory_space<hbm>> -> memref<128x128xf32, #tpu.memory_space<hbm>>
      tpu.enqueue_dma source(%arg12 : memref<128x128xf32, #tpu.memory_space<vmem>>) target(%dma_start3A_120 : memref<128x128xf32, #tpu.memory_space<hbm>>) target_semaphore(%run_scoped3A : memref<!tpu.dma_semaphore, #tpu.memory_space<semaphore_mem>>)
      %dma_wait3A_121 = arith.constant 128 : i32
      %dma_wait3A_122 = tpu.memref_slice %arg6[%add3A_102, %dma_wait3A_121] : memref<16384x256xf32, #tpu.memory_space<hbm>> -> memref<128x128xf32, #tpu.memory_space<hbm>>
      %dma_wait3A_123 = arith.constant 128 : i32
      %dma_wait3A_124 = tpu.memref_slice %arg6[%add3A_102, %dma_wait3A_123] : memref<16384x256xf32, #tpu.memory_space<hbm>> -> memref<128x128xf32, #tpu.memory_space<hbm>>
      tpu.wait_dma2 semaphore(%run_scoped3A : memref<!tpu.dma_semaphore, #tpu.memory_space<semaphore_mem>>) src(%arg12 : memref<128x128xf32, #tpu.memory_space<vmem>>) dst(%dma_wait3A_124 : memref<128x128xf32, #tpu.memory_space<hbm>>)
      tpu.yield
    }) : () -> ()
    %dma_wait3A_103 = arith.constant 0 : i32
    %dma_wait3A_104 = tpu.memref_slice %arg10[%dma_wait3A_103] : memref<256xi32, #tpu.memory_space<vmem>> -> memref<128xi32, #tpu.memory_space<vmem>>
    %dma_wait3A_105 = arith.constant 0 : i32
    %dma_wait3A_106 = arith.constant 0 : i32
    %dma_wait3A_107 = tpu.memref_slice %arg3[%dma_wait3A_105, %dma_wait3A_106] : memref<100000x128xf32, #tpu.memory_space<hbm>> -> memref<100000x128xf32, #tpu.memory_space<hbm>>
    tpu.wait_indirect_dma semaphore(%arg17 : memref<!tpu.dma_semaphore, #tpu.memory_space<semaphore_mem>>) src(%dma_wait3A_107 : memref<100000x128xf32, #tpu.memory_space<hbm>>) dst(%arg13 : memref<128x128xf32, #tpu.memory_space<vmem>>)
    %add3A_108 = arith.constant 256 : i32
    %add3A_109 = arith.addi %mul3A_2, %add3A_108 : i32
    "tpu.region"() ({
      %run_scoped3A = tpu.sem_alloc : memref<!tpu.dma_semaphore, #tpu.memory_space<semaphore_mem>>
      %dma_start3A_117 = arith.constant 128 : i32
      %dma_start3A_118 = tpu.memref_slice %arg6[%add3A_109, %dma_start3A_117] : memref<16384x256xf32, #tpu.memory_space<hbm>> -> memref<128x128xf32, #tpu.memory_space<hbm>>
      %dma_start3A_119 = arith.constant 128 : i32
      %dma_start3A_120 = tpu.memref_slice %arg6[%add3A_109, %dma_start3A_119] : memref<16384x256xf32, #tpu.memory_space<hbm>> -> memref<128x128xf32, #tpu.memory_space<hbm>>
      tpu.enqueue_dma source(%arg13 : memref<128x128xf32, #tpu.memory_space<vmem>>) target(%dma_start3A_120 : memref<128x128xf32, #tpu.memory_space<hbm>>) target_semaphore(%run_scoped3A : memref<!tpu.dma_semaphore, #tpu.memory_space<semaphore_mem>>)
      %dma_wait3A_121 = arith.constant 128 : i32
      %dma_wait3A_122 = tpu.memref_slice %arg6[%add3A_109, %dma_wait3A_121] : memref<16384x256xf32, #tpu.memory_space<hbm>> -> memref<128x128xf32, #tpu.memory_space<hbm>>
      %dma_wait3A_123 = arith.constant 128 : i32
      %dma_wait3A_124 = tpu.memref_slice %arg6[%add3A_109, %dma_wait3A_123] : memref<16384x256xf32, #tpu.memory_space<hbm>> -> memref<128x128xf32, #tpu.memory_space<hbm>>
      tpu.wait_dma2 semaphore(%run_scoped3A : memref<!tpu.dma_semaphore, #tpu.memory_space<semaphore_mem>>) src(%arg13 : memref<128x128xf32, #tpu.memory_space<vmem>>) dst(%dma_wait3A_124 : memref<128x128xf32, #tpu.memory_space<hbm>>)
      tpu.yield
    }) : () -> ()
    %dma_wait3A_110 = arith.constant 128 : i32
    %dma_wait3A_111 = tpu.memref_slice %arg10[%dma_wait3A_110] : memref<256xi32, #tpu.memory_space<vmem>> -> memref<128xi32, #tpu.memory_space<vmem>>
    %dma_wait3A_112 = arith.constant 0 : i32
    %dma_wait3A_113 = arith.constant 0 : i32
    %dma_wait3A_114 = tpu.memref_slice %arg3[%dma_wait3A_112, %dma_wait3A_113] : memref<100000x128xf32, #tpu.memory_space<hbm>> -> memref<100000x128xf32, #tpu.memory_space<hbm>>
    tpu.wait_indirect_dma semaphore(%arg18 : memref<!tpu.dma_semaphore, #tpu.memory_space<semaphore_mem>>) src(%dma_wait3A_114 : memref<100000x128xf32, #tpu.memory_space<hbm>>) dst(%arg14 : memref<128x128xf32, #tpu.memory_space<vmem>>)
    %add3A_115 = arith.constant 384 : i32
    %add3A_116 = arith.addi %mul3A_2, %add3A_115 : i32
    "tpu.region"() ({
      %run_scoped3A = tpu.sem_alloc : memref<!tpu.dma_semaphore, #tpu.memory_space<semaphore_mem>>
      %dma_start3A_117 = arith.constant 128 : i32
      %dma_start3A_118 = tpu.memref_slice %arg6[%add3A_116, %dma_start3A_117] : memref<16384x256xf32, #tpu.memory_space<hbm>> -> memref<128x128xf32, #tpu.memory_space<hbm>>
      %dma_start3A_119 = arith.constant 128 : i32
      %dma_start3A_120 = tpu.memref_slice %arg6[%add3A_116, %dma_start3A_119] : memref<16384x256xf32, #tpu.memory_space<hbm>> -> memref<128x128xf32, #tpu.memory_space<hbm>>
      tpu.enqueue_dma source(%arg14 : memref<128x128xf32, #tpu.memory_space<vmem>>) target(%dma_start3A_120 : memref<128x128xf32, #tpu.memory_space<hbm>>) target_semaphore(%run_scoped3A : memref<!tpu.dma_semaphore, #tpu.memory_space<semaphore_mem>>)
      %dma_wait3A_121 = arith.constant 128 : i32
      %dma_wait3A_122 = tpu.memref_slice %arg6[%add3A_116, %dma_wait3A_121] : memref<16384x256xf32, #tpu.memory_space<hbm>> -> memref<128x128xf32, #tpu.memory_space<hbm>>
      %dma_wait3A_123 = arith.constant 128 : i32
      %dma_wait3A_124 = tpu.memref_slice %arg6[%add3A_116, %dma_wait3A_123] : memref<16384x256xf32, #tpu.memory_space<hbm>> -> memref<128x128xf32, #tpu.memory_space<hbm>>
      tpu.wait_dma2 semaphore(%run_scoped3A : memref<!tpu.dma_semaphore, #tpu.memory_space<semaphore_mem>>) src(%arg14 : memref<128x128xf32, #tpu.memory_space<vmem>>) dst(%dma_wait3A_124 : memref<128x128xf32, #tpu.memory_space<hbm>>)
      tpu.yield
    }) : () -> ()
    return
  }
}

module attributes {stable_mosaic.version = 14 : i64} {
  func.func @_mlp_body(%arg0: i32, %arg1: memref<8192x256xf32, #tpu.memory_space<vmem>>, %arg2: memref<128x256xf32, #tpu.memory_space<vmem>>, %arg3: memref<128xf32, #tpu.memory_space<vmem>>, %arg4: memref<64x128xf32, #tpu.memory_space<vmem>>, %arg5: memref<64xf32, #tpu.memory_space<vmem>>, %arg6: memref<1x64xf32, #tpu.memory_space<vmem>>, %arg7: memref<1xf32, #tpu.memory_space<vmem>>, %arg8: memref<1x8192xf32, #tpu.memory_space<vmem>>) attributes {dimension_semantics = [#tpu.dimension_semantics<parallel>], iteration_bounds = array<i64: 2>, scalar_prefetch = 0 : i64, scratch_operands = 0 : i64, tpu.core_type = #tpu.core_type<tc>, window_params = [{transform_indices = @transform_0, window_bounds = array<i64: 8192, 256>}, {pipeline_mode = #tpu.pipeline_mode<synchronous>, transform_indices = @transform_1, window_bounds = array<i64: 128, 256>}, {pipeline_mode = #tpu.pipeline_mode<synchronous>, transform_indices = @transform_2, window_bounds = array<i64: 128>}, {pipeline_mode = #tpu.pipeline_mode<synchronous>, transform_indices = @transform_3, window_bounds = array<i64: 64, 128>}, {pipeline_mode = #tpu.pipeline_mode<synchronous>, transform_indices = @transform_4, window_bounds = array<i64: 64>}, {pipeline_mode = #tpu.pipeline_mode<synchronous>, transform_indices = @transform_5, window_bounds = array<i64: 1, 64>}, {pipeline_mode = #tpu.pipeline_mode<synchronous>, transform_indices = @transform_6, window_bounds = array<i64: 1>}, {transform_indices = @transform_7, window_bounds = array<i64: 1, 8192>}]} {
    %get3A = arith.constant 0 : index
    %get3A_0 = arith.constant 0 : index
    %get3A_1 = vector.load %arg1[%get3A, %get3A_0] : memref<8192x256xf32, #tpu.memory_space<vmem>>, vector<8192x256xf32>
    %get3A_2 = arith.constant 0 : index
    %get3A_3 = arith.constant 0 : index
    %get3A_4 = vector.load %arg2[%get3A_2, %get3A_3] : memref<128x256xf32, #tpu.memory_space<vmem>>, vector<128x256xf32>
    %dot_general3A = arith.constant dense<0.000000e+00> : vector<8192x128xf32>
    %dot_general3A_5 = tpu.matmul %get3A_1, %get3A_4, %dot_general3A {dimension_numbers = #tpu.dot_dimension_numbers<[1], [1], [0], [0], [0, 0, 1, 0], [], []>, transpose_lhs_hint = false} : vector<8192x256xf32>, vector<128x256xf32>, vector<8192x128xf32> -> vector<8192x128xf32>
    %get3A_6 = arith.constant 0 : index
    %get3A_7 = vector.load %arg3[%get3A_6] : memref<128xf32, #tpu.memory_space<vmem>>, vector<128xf32>
    %reshape3A = vector.shape_cast %get3A_7 : vector<128xf32> to vector<1x128xf32>
    %add3A = vector.broadcast %reshape3A : vector<1x128xf32> to vector<8192x128xf32>
    %add3A_8 = arith.addf %dot_general3A_5, %add3A : vector<8192x128xf32>
    %max3A = arith.constant 0.000000e+00 : f32
    %max3A_9 = vector.broadcast %max3A : f32 to vector<8192x128xf32>
    %max3A_10 = arith.maximumf %add3A_8, %max3A_9 : vector<8192x128xf32>
    %get3A_11 = arith.constant 0 : index
    %get3A_12 = arith.constant 0 : index
    %get3A_13 = vector.load %arg4[%get3A_11, %get3A_12] : memref<64x128xf32, #tpu.memory_space<vmem>>, vector<64x128xf32>
    %dot_general3A_14 = arith.constant dense<0.000000e+00> : vector<64x8192xf32>
    %dot_general3A_15 = tpu.matmul %get3A_13, %max3A_10, %dot_general3A_14 {dimension_numbers = #tpu.dot_dimension_numbers<[1], [1], [0], [0], [0, 0, 1, 0], [], []>, transpose_lhs_hint = false} : vector<64x128xf32>, vector<8192x128xf32>, vector<64x8192xf32> -> vector<64x8192xf32>
    %get3A_16 = arith.constant 0 : index
    %get3A_17 = vector.load %arg5[%get3A_16] : memref<64xf32, #tpu.memory_space<vmem>>, vector<64xf32>
    %reshape3A_18 = vector.shape_cast %get3A_17 : vector<64xf32> to vector<64x1xf32>
    %add3A_19 = vector.broadcast %reshape3A_18 : vector<64x1xf32> to vector<64x8192xf32>
    %add3A_20 = arith.addf %dot_general3A_15, %add3A_19 : vector<64x8192xf32>
    %max3A_21 = arith.constant 0.000000e+00 : f32
    %max3A_22 = vector.broadcast %max3A_21 : f32 to vector<64x8192xf32>
    %max3A_23 = arith.maximumf %add3A_20, %max3A_22 : vector<64x8192xf32>
    %get3A_24 = arith.constant 0 : index
    %get3A_25 = arith.constant 0 : index
    %get3A_26 = vector.load %arg6[%get3A_24, %get3A_25] : memref<1x64xf32, #tpu.memory_space<vmem>>, vector<1x64xf32>
    %dot_general3A_27 = arith.constant dense<0.000000e+00> : vector<1x8192xf32>
    %dot_general3A_28 = tpu.matmul %get3A_26, %max3A_23, %dot_general3A_27 {dimension_numbers = #tpu.dot_dimension_numbers<[1], [0], [0], [1], [0, 0, 1, 1], [], []>, transpose_lhs_hint = false} : vector<1x64xf32>, vector<64x8192xf32>, vector<1x8192xf32> -> vector<1x8192xf32>
    %get3A_29 = arith.constant 0 : index
    %get3A_30 = vector.load %arg7[%get3A_29] : memref<1xf32, #tpu.memory_space<vmem>>, vector<1xf32>
    %get3A_31 = vector.extract %get3A_30[0] : f32 from vector<1xf32>
    %add3A_32 = vector.broadcast %get3A_31 : f32 to vector<1x8192xf32>
    %add3A_33 = arith.addf %dot_general3A_28, %add3A_32 : vector<1x8192xf32>
    %swap3A = arith.constant 0 : index
    %swap3A_34 = arith.constant 0 : index
    %swap3A_35 = vector.load %arg8[%swap3A, %swap3A_34] : memref<1x8192xf32, #tpu.memory_space<vmem>>, vector<1x8192xf32>
    tpu.vector_store %arg8[%swap3A, %swap3A_34], %add3A_33 {strides = array<i32>} : memref<1x8192xf32, #tpu.memory_space<vmem>>, vector<1x8192xf32>,
    return
  }
  func.func @transform_0(%arg0: i32) -> (i32, i32) {
    %c0_i32 = arith.constant 0 : i32
    %c0_i32_0 = arith.constant 0 : i32
    return %arg0, %c0_i32 : i32, i32
  }
  func.func @transform_1(%arg0: i32) -> (i32, i32) {
    %c0_i32 = arith.constant 0 : i32
    %c0_i32_0 = arith.constant 0 : i32
    %c0_i32_1 = arith.constant 0 : i32
    return %c0_i32, %c0_i32_0 : i32, i32
  }
  func.func @transform_2(%arg0: i32) -> i32 {
    %c0_i32 = arith.constant 0 : i32
    %c0_i32_0 = arith.constant 0 : i32
    return %c0_i32 : i32
  }
  func.func @transform_3(%arg0: i32) -> (i32, i32) {
    %c0_i32 = arith.constant 0 : i32
    %c0_i32_0 = arith.constant 0 : i32
    %c0_i32_1 = arith.constant 0 : i32
    return %c0_i32, %c0_i32_0 : i32, i32
  }
  func.func @transform_4(%arg0: i32) -> i32 {
    %c0_i32 = arith.constant 0 : i32
    %c0_i32_0 = arith.constant 0 : i32
    return %c0_i32 : i32
  }
  func.func @transform_5(%arg0: i32) -> (i32, i32) {
    %c0_i32 = arith.constant 0 : i32
    %c0_i32_0 = arith.constant 0 : i32
    %c0_i32_1 = arith.constant 0 : i32
    return %c0_i32, %c0_i32_0 : i32, i32
  }
  func.func @transform_6(%arg0: i32) -> i32 {
    %c0_i32 = arith.constant 0 : i32
    %c0_i32_0 = arith.constant 0 : i32
    return %c0_i32 : i32
  }
  func.func @transform_7(%arg0: i32) -> (i32, i32) {
    %c0_i32 = arith.constant 0 : i32
    %c0_i32_0 = arith.constant 0 : i32
    return %c0_i32, %arg0 : i32, i32
  }
}

</mosaic_0001>

<sc_bundles>
// kernel: kernel.4.cloned.1.call-start
scs
__scs_entry_jumppad:
0x0: {  	(pc) =	sbr.rel $0x88, $3  }
0x1: {  	(tag) =	ssettag $0x0;
	lr =	simm.s32 $0x1  }
0x2: {  	[smem:$0x3F97] =	sst lr;
	_ =	strace $0xD0000000  }
0x3: {  	_ = 	snop  }
0x4: {  	_ = 	snop  }
0x5: {  	_ = 	snop  }
0x6: {  	_ = 	snop  }
0x7: {  	_ = 	snop  }
__scs_overlays_trampoline_lowered:
0x8: {  	[smem:$0x3FA6] =	sst s0  }
0x9: {  	[smem:$0x3FA7] =	sst s1  }
0xa: {  	[smem:$0x3FA8] =	sst s2  }
0xb: {  	[smem:$0x3FA9] =	sst s3  }
0xc: {  	[smem:$0x3FAA] =	sst s4  }
0xd: {  	[smem:$0x3FAB] =	sst s5  }
0xe: {  	[smem:$0x3FAC] =	sst s6  }
0xf: {  	[smem:$0x3FAD] =	sst s7  }
0x10: {  	[smem:$0x3FAE] =	sst s8  }
0x11: {  	[smem:$0x3FAF] =	sst s9;
	s0 =	simm.s32 @!p0 $0x0  }
0x12: {  	s1 =	sld [smem:$0x3F95];
	s0 =	simm.s32 @p0 $0x1  }
0x13: {  	[smem:$0x3FB0] =	sst s0;
	s0 =	simm.s32 @!p1 $0x0  }
0x14: {  	s2 =	sld [smem:$0x3F94];
	s0 =	simm.s32 @p1 $0x1  }
0x15: {  	[smem:$0x3FB1] =	sst s0;
	s0 =	simm.s32 @!p2 $0x0  }
0x16: {  	s3 =	sld [smem:$0x3FDB];
	s0 =	simm.s32 @p2 $0x1  }
0x17: {  	s4 =	simm.s32 $0x1BF5;
	[smem:$0x3FB3] =	sst s0  }
0x18: {  	s0 =	sld [smem:$0x3F96];
	_ =	swait.ge [sflag:s4], $0x0  }
0x19: {  	s7 =	sld [smem:$0x3F97]  }
0x1a: {  	s8 =	sadd.s32 $0xFFFFE003, lr  }
0x1b: {  	s9 =	sadd.s32 $0xFFFFFEF7, lr;
	s5 =	simm.s32 $0xFFFFFFFF;
	p2 =	slt.u32 s8, $0xFFFFF086  }
0x1c: {  	p1 =	slt.u32 s9, $0xF7A;
	s5 =	simm.s32 @!p2 $0x0  }
0x1d: {  	s5 =	simm.s32 @p1 $0x1;
	p0 =	seq.s32 s7, s2  }
0x1e: {  	s7 =	smul.u32 @!p0 $0xF7A, s2;
	p2 =	seq.s32 @!p0 s5, $0x0  }
0x1f: {  	s9 =	smul.u32 $0xF7A, s1;
	s8 =	simm.s32 @!p0 $0x1BF5;
	p2 =	por !p2, p0  }
0x20: {  	[sflag:s8] =	ssyncset.s32 @!p0 $0xFFFFF086;
	s6 =	sadd.s32 @!p0 s3, s7;
	s7 =	simm.s32 @!p0 $0x108  }
0x21: {  	s3 =	sadd.s32 s3, s9;
	s6 =	sadd.s32 @!p0 $0x88, s6;
	s7 =	simm.s32 @p2 $0x1082  }
0x22: {  	[simem:s7], [sflag:s8] =	dma.local @!p0 [hbm:s6], $0xF7A  }
0x23: {  	s9 =	sor.u32 $0xD0000000, s2;
	s6 =	simm.s32 $0x108;
	_ =	swait.ge @!p0 [sflag:s8], $0x0  }
0x24: {  	s3 =	sadd.s32 $0x88, s3;
	s6 =	simm.s32 @!p1 $0x1082;
	[sflag:s4] =	ssyncset.s32 $0xFFFFF086  }
0x25: {  	[simem:s6], [sflag:s4] =	dma.local [hbm:s3], $0xF7A  }
0x26: {  	[smem:$0x3F97] =	sst s1;
	(tag) =	ssettag s2;
	_ =	strace s9  }
0x27: {  	s1 =	sld [smem:$0x3FA7]  }
0x28: {  	s2 =	sld [smem:$0x3FA8]  }
0x29: {  	s4 =	sld [smem:$0x3FAA]  }
0x2a: {  	p0 =	seq.s32 s5, $0x0;
	s5 =	sld [smem:$0x3FAB]  }
0x2b: {  	s6 =	sld [smem:$0x3FAC]  }
0x2c: {  	s7 =	sld [smem:$0x3FAD]  }
0x2d: {  	s3 =	simm.s32 $0x108;
	s8 =	sld [smem:$0x3FAE]  }
0x2e: {  	s3 =	simm.s32 @!p0 $0x1082;
	s9 =	sld [smem:$0x3FAF]  }
0x2f: {  	lr =	sadd.s32 s0, s3;
	s0 =	sld [smem:$0x3FA6]  }
0x30: {  	s3 =	sld [smem:$0x3FA9]  }
0x31: {  	[smem:$0x3FB2] =	sst s10  }
0x32: {  	s10 =	sld [smem:$0x3FB0];
	_ =	sdelay $0x3  }
0x33: {  	p0 =	seq.s32 s10, $0x1;
	s10 =	sld [smem:$0x3FB2];
	_ =	sdelay $0x3  }
0x34: {  	[smem:$0x3FB2] =	sst s10  }
0x35: {  	s10 =	sld [smem:$0x3FB1];
	_ =	sdelay $0x3  }
0x36: {  	p1 =	seq.s32 s10, $0x1;
	s10 =	sld [smem:$0x3FB2];
	_ =	sdelay $0x3  }
0x37: {  	[smem:$0x3FB2] =	sst s10  }
0x38: {  	s10 =	sld [smem:$0x3FB3]  }
0x39: {  	_ = 	snop;
	(pc) =	sbr.ind lr, $3  }
0x3a: {  	_ = 	snop  }
0x3b: {  	_ = 	snop  }
0x3c: {  	p2 =	seq.s32 s10, $0x1;
	s10 =	sld [smem:$0x3FB2]  }
0x3d: {  	_ =	shalt  }
0x3e: {  	_ =	shalt  }
0x3f: {  	_ =	shalt  }
0x40: {  	_ =	shalt  }
0x41: {  	_ =	shalt  }
0x42: {  	_ =	shalt  }
0x43: {  	_ =	shalt  }
0x44: {  	_ =	shalt  }
0x45: {  	_ =	shalt  }
0x46: {  	_ =	shalt  }
0x47: {  	_ =	shalt  }
0x48: {  	_ =	shalt  }
0x49: {  	_ =	shalt  }
0x4a: {  	_ =	shalt  }
0x4b: {  	_ =	shalt  }
0x4c: {  	_ =	shalt  }
0x4d: {  	_ =	shalt  }
0x4e: {  	_ =	shalt  }
0x4f: {  	_ =	shalt  }
0x50: {  	_ =	shalt  }
0x51: {  	_ =	shalt  }
0x52: {  	_ =	shalt  }
0x53: {  	_ =	shalt  }
0x54: {  	_ =	shalt  }
0x55: {  	_ =	shalt  }
0x56: {  	_ =	shalt  }
0x57: {  	_ =	shalt  }
0x58: {  	_ =	shalt  }
0x59: {  	_ =	shalt  }
0x5a: {  	_ =	shalt  }
0x5b: {  	_ =	shalt  }
0x5c: {  	_ =	shalt  }
0x5d: {  	_ =	shalt  }
0x5e: {  	_ =	shalt  }
0x5f: {  	_ =	shalt  }
0x60: {  	_ =	shalt  }
0x61: {  	_ =	shalt  }
0x62: {  	_ =	shalt  }
0x63: {  	_ =	shalt  }
0x64: {  	_ =	shalt  }
0x65: {  	_ =	shalt  }
0x66: {  	_ =	shalt  }
0x67: {  	_ =	shalt  }
0x68: {  	_ =	shalt  }
0x69: {  	_ =	shalt  }
0x6a: {  	_ =	shalt  }
0x6b: {  	_ =	shalt  }
0x6c: {  	_ =	shalt  }
0x6d: {  	_ =	shalt  }
0x6e: {  	_ =	shalt  }
0x6f: {  	_ =	shalt  }
0x70: {  	_ =	shalt  }
0x71: {  	_ =	shalt  }
0x72: {  	_ =	shalt  }
0x73: {  	_ =	shalt  }
0x74: {  	_ =	shalt  }
0x75: {  	_ =	shalt  }
0x76: {  	_ =	shalt  }
0x77: {  	_ =	shalt  }
0x78: {  	_ =	shalt  }
0x79: {  	_ =	shalt  }
0x7a: {  	_ =	shalt  }
0x7b: {  	_ =	shalt  }
0x7c: {  	_ =	shalt  }
0x7d: {  	_ =	shalt  }
0x7e: {  	_ =	shalt  }
0x7f: {  	_ =	shalt  }
0x80: {  	_ =	shalt  }
0x81: {  	_ =	shalt  }
0x82: {  	_ =	shalt  }
0x83: {  	_ =	shalt  }
0x84: {  	_ =	shalt  }
0x85: {  	_ =	shalt  }
0x86: {  	_ =	shalt  }
0x87: {  	_ =	shalt  }
.Lfunc_end0:
.L_simem_size_0:
called_computation_lowered:
.L_overlay_start_0:
0x88: {  	s2 =	sld [smem:$0x3FD9]  }
0x89: {  	s3 =	sld [smem:$0x3FFE];
	_ =	sdelay $0x1  }
0x8a: {  	s1 =	srdreg.scid  }
0x8b: {  	s0 =	sand.u32 $0x1, s1  }
0x8c: {  	s17 =	sshll.u32 s0, $0xA;
	s2 =	sadd.s32 s3, s2  }
0x8d: {  	s2 =	sadd.s32 s2, s17  }
0x8e: {  	[smem:$0x3FBE] =	sst s2  }
0x8f: {  	_ = 	snop  }
0x90: {  	s2 =	sld [smem:$0x3FC9]  }
0x91: {  	s18 =	sld [smem:$0x3FC8]  }
0x92: {  	s4 =	sld [smem:$0x3FC7]  }
0x93: {  	s5 =	sld [smem:$0x3FC6];
	(tm) =	ssettm $0x1  }
0x94: {  	s6 =	sld [smem:$0x3FFB];
	_ =	sdelay $0x3  }
0x95: {  	_ =	strace s6  }
0x96: {  	s6 =	sld [smem:$0x3FFC];
	_ =	sdelay $0x3  }
0x97: {  	_ =	strace s6  }
0x98: {  	s6 =	sld [smem:$0x3FFD];
	_ =	sdelay $0x3  }
0x99: {  	_ =	strace s6  }
0x9a: {  	_ =	strace $0x8FFFFFFF  }
0x9b: {  	s19 =	sld [smem:$0x3FDB];
	_ =	sdelay $0x1  }
0x9c: {  	s7 =	simm.s32 $_scs_section_size  }
0x9d: {  	s8 =	simm.s32 $_size__tile_overlayer_lowered;
	s9 =	simm.s32 $_tile_overlayer_lowered  }
0x9e: {  	s22 =	simm.s32 $0x1BFF;
	s21 =	sshll.u32 s9, $0x1;
	s6 =	sadd.s32 s7, s19  }
0x9f: {  	s10 =	simm.s32 $0x0;
	s20 =	sshll.u32 s8, $0x1;
	s8 =	sadd.s32 s21, s6  }
0xa0: {  	[timem:s10], [sflag:s22] =	dma.local [hbm:s8], s20  }
0xa1: {  	_ =	swait.ge [sflag:s22], s20  }
0xa2: {  	s7 =	ssub.s32 $0x0, s20;
	[sflag:s22] =	ssyncset.done $0x0  }
0xa3: {  	[sflag:s22] =	ssyncadd.s32 s7;
	_ =	sdelay $0x1  }
0xa4: {  	s23 =	simm.s32 $0x1B8B  }
0xa5: {  	_ =	swait.ge [sflag:s23], $0x1  }
0xa6: {  	[sflag:s23] =	ssyncset.done $0x0  }
0xa7: {  	s25 =	simm.s32 $0x1B8E;
	s24 =	sld [smem:$0x3FFE];
	[sflag:s23] =	ssyncadd.s32 $0xFFFFFFFF  }
0xa8: {  	s26 =	simm.s32 $execute0_lowered;
	[smem:$0x3FD2] =	sst s25  }
0xa9: {  	s8 =	sshll.u32 s26, $0x1;
	_ =	strace $0x80000046;
	[dreg:$0x1] =	wrdreg $0xFFFFFFFF  }
0xaa: {  	s28 =	simm.s32 $_size_execute0_lowered;
	s6 =	sadd.s32 s6, s8;
	[dreg:$0x0] =	wrdreg $0x0  }
0xab: {  	s8 =	sshll.u32 s28, $0x1;
	[dreg:$0x2] =	wrdreg s6  }
0xac: {  	[dreg:$0x3] =	wrdreg s8  }
0xad: {  	[dreg:$0x4] =	wrdreg $0xC0  }
0xae: {  	_ =	task [dreg:s10], $0x5FFFF  }
0xaf: {  	[dreg:$0x1] =	wrdreg $0xFFFFFFFF  }
0xb0: {  	[dreg:$0x0] =	wrdreg $0x60  }
0xb1: {  	[dreg:$0x2] =	wrdreg s4  }
0xb2: {  	[dreg:$0x3] =	wrdreg s5  }
0xb3: {  	[dreg:$0x4] =	wrdreg s2  }
0xb4: {  	[dreg:$0x5] =	wrdreg s18  }
0xb5: {  	[dreg:$0x6] =	wrdreg s24  }
0xb6: {  	[dreg:$0x7] =	wrdreg $0x9  }
0xb7: {  	_ =	task.clear_ibuf [dreg:s10], $0x8FFFF;
	_ =	strace $0x90000046  }
0xb8: {  	s29 =	simm.s32 $0x9;
	_ =	strace $0x80000048  }
0xb9: {  	_ =	swait.ge [sflag:s29], $0x1  }
0xba: {  	[sflag:s29] =	ssyncadd.s32 $0xFFFFFFFF  }
0xbb: {  	_ =	strace $0x90000048  }
0xbc: {  	_ =	sfence  }
0xbd: {  	s30 =	sld [smem:$0x0];
	_ =	sdelay $0x2  }
0xbe: {  	s31 =	sshll.u32 s1, $0xD;
	s1 =	sshrl.u32 s1, $0x2  }
0xbf: {  	s3 =	sand.u32 $0x4000, s31;
	s1 =	sadd.s32 s1, s30  }
0xc0: {  	s0 =	sor.u32 s3, s0;
	s1 =	sshll.u32 s1, $0x11  }
0xc1: {  	s0 =	sor.u32 s1, s0  }
0xc2: {  	s0 =	sadd.s32 $0x8F2B, s0  }
0xc3: {  	[sflag:s0] =	ssyncadd.remote.s32 $0x1  }
0xc4: {  	_ =	sfence.sel $0xFFFF  }
0xc5: {  	[dreg:$0x0] =	wrdreg $0xFFFFFFFF;
	(pc) =	sbr.abs _section_cstart, $3  }
0xc6: {  	[dreg:$0x1] =	wrdreg $0xFFFFFFFF  }
0xc7: {  	_ =	task.clear_ibuf [dreg:s10], $0x2FFFF;
	_ =	strace $0x9FFFFFFF  }
0xc8: {  	(tm) =	ssettm $0x7FFFFFFF  }
0xc9: {  	_ =	shalt  }
tec
execute0_lowered:
.L_overlay_start_1:
0x0: {  	(tag) =	ssettag $0x1  }
0x1: {  	s8 =	rddreg [dreg:$0x0]  }
0x2: {  	s2 =	rddreg [dreg:$0x1]  }
0x3: {  	s0 =	rddreg [dreg:$0x2]  }
0x4: {  	s1 =	rddreg [dreg:$0x3]  }
0x5: {  	s3 =	rddreg [dreg:$0x4]  }
0x6: {  	s24 =	rddreg [dreg:$0x5]  }
0x7: {  	s4 =	srdreg.scid;
	s19 =	simm.s32 $0x0;
	s5 =	stileid.u32  }
0x8: {  	s28 =	simm.s32 $0x100;
	s31 =	simm.s32 $0x5;
	s16 =	simm.s32 $0x80  }
0x9: {  	s13 =	simm.s32 $0x4400;
	s30 =	simm.s32 $0x6;
	p0 =	por $0x0, $0x0  }
0xa: {  	s29 =	simm.s32 $0x280;
	s14 =	simm.s32 $0x4;
	s4 =	sand.u32 $0x1, s4  }
0xb: {  	[smem:$0x7FF] =	sst s19;
	s5 =	sshll.u32 s5, $0xA;
	s17 =	sadd.s32 $0x1000, s3  }
0xc: {  	s3 =	sadd.s32 $0x1080, s3;
	s6 =	sshll.u32 s4, $0x9;
	s4 =	ssub.s32 $0x2, s4  }
0xd: {  	_ =	strace $0x80000047;
	s5 =	sor.u32 s6, s5;
	s12 =	sshrl.u32 s4, $0x1  }
0xe: {  	s7 =	sshrl.u32 s5, $0x3;
	s9 =	sor.u32 $0x100, s5;
	s5 =	sshll.u32 s5, $0x5  }
0xf: {  	s21 =	ssub.s32 s4, s12;
	s10 =	sadd.s32 s0, s7;
	s11 =	sshrl.u32 s9, $0x3  }
0x10: {  	s18 =	sadd.s32 s1, s7;
	s23 =	sadd.s32 s17, s5;
	s25 =	sshll.u32 s9, $0x5  }
0x11: {  	s12 =	sadd.s32 s5, s3;
	s26 =	smax.u32 s21, $0x1;
	s5 =	simm.s32 $0x400  }
0x12: {  	s21 =	simm.s32 $0x1;
	s7 =	simm.s32 $0xC400;
	[dreg:$0x6] =	wrdreg s10  }
0x13: {  	s9 =	simm.s32 $0x800;
	s0 =	sadd.s32 s0, s11;
	[dreg:$0x8] =	wrdreg s18  }
0x14: {  	s20 =	sadd.s32 s1, s11;
	s22 =	sadd.s32 $0x1000, s23;
	s18 =	sadd.s32 s17, s25  }
0x15: {  	s15 =	sadd.s32 $0x3000, s23;
	s6 =	sadd.s32 $0x1080, s23;
	p1 =	sne.s32 s26, $0x1  }
.Ltmp0:
0x16: {  	s4 =	sadd.s32 s25, s3;
	s3 =	sadd.s32 $0x3080, s23;
	(pc) =	sbr.rel @!p1 .LBB2_1-.Ltmp0, $4  }
0x17: {  	s25 =	simm.s32 $0x200;
	s11 =	simm.s32 $0x8400;
	[dreg:$0x7] =	wrdreg s0  }
0x18: {  	s10 =	simm.s32 $0x7;
	s17 =	simm.s32 $0x3;
	[dreg:$0x9] =	wrdreg s20  }
0x19: {  	[dreg:$0xa] =	wrdreg s22;
	s20 =	simm.s32 $0x300;
	s0 =	sadd.s32 $0xFFFFFFFF, s26  }
0x1a: {  	s22 =	simm.s32 $0x2;
	s26 =	simm.s32 $0x380;
	s1 =	rddreg [dreg:$0x6]  }
0x1b: {  	[tilespmem:s19], [sflag:$0x5] =	stream.linear.gather [hbm4b:s1+s19], $0x100, $0x38;
	[tilespmem:$0x10400] =	vst v63  }
0x1c: {  	s24 =	smov.u32 s0;
	s0 =	rddreg [dreg:$0x7]  }
0x1d: {  	[tilespmem:s28], [sflag:$0x5] =	stream.linear.gather [hbm4b:s0+s19], $0x100, $0x38;
	[tilespmem:$0x10400] =	vst v63  }
0x1e: {  	s1 =	rddreg [dreg:$0x8]  }
0x1f: {  	[tilespmem:s25], [sflag:$0x6] =	stream.linear.gather [hbm4b:s1+s19], $0x100, $0x38;
	[tilespmem:$0x10400] =	vst v63  }
0x20: {  	s0 =	rddreg [dreg:$0x9]  }
0x21: {  	[tilespmem:s20], [sflag:$0x6] =	stream.linear.gather [hbm4b:s0+s19], $0x100, $0x38;
	[tilespmem:$0x10400] =	vst v63  }
0x22: {  	_ =	swait.ge [sflag:s31], $0x100  }
0x23: {  	[sflag:s31] =	ssyncset.done $0x0  }
0x24: {  	[sflag:s31] =	ssyncadd.s32 $0xFFFFFF00  }
0x25: {  	_ =	swait.ge [sflag:s31], $0x100  }
0x26: {  	[sflag:s31] =	ssyncset.done $0x0  }
0x27: {  	[sflag:s31] =	ssyncadd.s32 $0xFFFFFF00  }
0x28: {  	[tilespmem:s5], [sflag:$0x1] =	stream.indirect.gather [hbm4b:s8+s16], $0x80, s19, s16, $0xb8;
	[tilespmem:$0x10400] =	vst v63  }
0x29: {  	_ = 	snop  }
0x2a: {  	[tilespmem:s13], [sflag:$0x2] =	stream.indirect.gather [hbm4b:s8+s16], $0x80, s16, s16, $0xb8;
	[tilespmem:$0x10400] =	vst v63  }
0x2b: {  	_ = 	snop  }
0x2c: {  	[tilespmem:s11], [sflag:$0x3] =	stream.indirect.gather [hbm4b:s8+s16], $0x80, s28, s16, $0xb8;
	[tilespmem:$0x10400] =	vst v63  }
0x2d: {  	_ =	swait.ge [sflag:s30], $0x100  }
0x2e: {  	[sflag:s30] =	ssyncset.done $0x0  }
0x2f: {  	[sflag:s30] =	ssyncadd.s32 $0xFFFFFF00  }
0x30: {  	_ =	swait.ge [sflag:s30], $0x100  }
0x31: {  	[sflag:s30] =	ssyncset.done $0x0  }
0x32: {  	[sflag:s30] =	ssyncadd.s32 $0xFFFFFF00  }
0x33: {  	_ =	swait.ge [sflag:s21], $0x4000  }
0x34: {  	[sflag:s21] =	ssyncset.done $0x0  }
0x35: {  	s1 =	simm.s32 $0x180;
	[sflag:s21] =	ssyncadd.s32 $0xFFFFC000  }
0x36: {  	[tilespmem:s7], [sflag:$0x4] =	stream.indirect.gather [hbm4b:s8+s16], $0x80, s1, s16, $0xb8;
	[tilespmem:$0x10400] =	vst v63  }
0x37: {  	_ = 	snop  }
0x38: {  	[hbm4b:s23+s5] =	stream.strided.scatter [tilespmem:s5], [sflag:$0x7], $0x4000, s9, s5, $0x38;
	[tilespmem:$0x10400] =	vst v63  }
0x39: {  	_ =	swait.ge [sflag:s10], $0x4000  }
0x3a: {  	[sflag:s10] =	ssyncset.done $0x0  }
0x3b: {  	[sflag:s10] =	ssyncadd.s32 $0xFFFFC000  }
0x3c: {  	_ =	swait.ge [sflag:s22], $0x4000  }
0x3d: {  	[sflag:s22] =	ssyncset.done $0x0  }
0x3e: {  	[sflag:s22] =	ssyncadd.s32 $0xFFFFC000  }
0x3f: {  	[tilespmem:s5], [sflag:$0x1] =	stream.indirect.gather [hbm4b:s2+s16], $0x80, s25, s16, $0xb8;
	[tilespmem:$0x10400] =	vst v63  }
0x40: {  	s1 =	rddreg [dreg:$0xa]  }
0x41: {  	[hbm4b:s1+s5] =	stream.strided.scatter [tilespmem:s13], [sflag:$0x7], $0x4000, s9, s5, $0x38;
	[tilespmem:$0x10400] =	vst v63  }
0x42: {  	_ =	swait.ge [sflag:s10], $0x4000  }
0x43: {  	[sflag:s10] =	ssyncset.done $0x0  }
0x44: {  	[sflag:s10] =	ssyncadd.s32 $0xFFFFC000  }
0x45: {  	_ =	swait.ge [sflag:s17], $0x4000  }
0x46: {  	[sflag:s17] =	ssyncset.done $0x0  }
0x47: {  	[sflag:s17] =	ssyncadd.s32 $0xFFFFC000  }
0x48: {  	[tilespmem:s13], [sflag:$0x2] =	stream.indirect.gather [hbm4b:s2+s16], $0x80, s29, s16, $0xb8;
	[tilespmem:$0x10400] =	vst v63  }
0x49: {  	_ = 	snop  }
0x4a: {  	[hbm4b:s18+s5] =	stream.strided.scatter [tilespmem:s11], [sflag:$0x7], $0x4000, s9, s5, $0x38;
	[tilespmem:$0x10400] =	vst v63  }
0x4b: {  	_ =	swait.ge [sflag:s10], $0x4000  }
0x4c: {  	[sflag:s10] =	ssyncset.done $0x0  }
0x4d: {  	[sflag:s10] =	ssyncadd.s32 $0xFFFFC000  }
0x4e: {  	_ =	swait.ge [sflag:s14], $0x4000  }
0x4f: {  	[sflag:s14] =	ssyncset.done $0x0  }
0x50: {  	[sflag:s14] =	ssyncadd.s32 $0xFFFFC000  }
0x51: {  	[tilespmem:s11], [sflag:$0x3] =	stream.indirect.gather [hbm4b:s2+s16], $0x80, s20, s16, $0xb8;
	[tilespmem:$0x10400] =	vst v63  }
0x52: {  	_ = 	snop  }
0x53: {  	[hbm4b:s15+s5] =	stream.strided.scatter [tilespmem:s7], [sflag:$0x7], $0x4000, s9, s5, $0x38;
	[tilespmem:$0x10400] =	vst v63  }
0x54: {  	_ =	swait.ge [sflag:s10], $0x4000  }
0x55: {  	[sflag:s10] =	ssyncset.done $0x0  }
0x56: {  	[sflag:s10] =	ssyncadd.s32 $0xFFFFC000  }
0x57: {  	_ =	swait.ge [sflag:s21], $0x4000  }
0x58: {  	[sflag:s21] =	ssyncset.done $0x0  }
0x59: {  	[sflag:s21] =	ssyncadd.s32 $0xFFFFC000  }
0x5a: {  	[tilespmem:s7], [sflag:$0x4] =	stream.indirect.gather [hbm4b:s2+s16], $0x80, s26, s16, $0xb8;
	[tilespmem:$0x10400] =	vst v63  }
0x5b: {  	_ = 	snop  }
0x5c: {  	[hbm4b:s12+s5] =	stream.strided.scatter [tilespmem:s5], [sflag:$0x7], $0x4000, s9, s5, $0x38;
	[tilespmem:$0x10400] =	vst v63  }
0x5d: {  	_ =	swait.ge [sflag:s10], $0x4000  }
0x5e: {  	[sflag:s10] =	ssyncset.done $0x0  }
0x5f: {  	[sflag:s10] =	ssyncadd.s32 $0xFFFFC000  }
0x60: {  	_ =	swait.ge [sflag:s22], $0x4000  }
0x61: {  	[sflag:s22] =	ssyncset.done $0x0  }
0x62: {  	[sflag:s22] =	ssyncadd.s32 $0xFFFFC000  }
0x63: {  	[hbm4b:s6+s5] =	stream.strided.scatter [tilespmem:s13], [sflag:$0x7], $0x4000, s9, s5, $0x38;
	[tilespmem:$0x10400] =	vst v63  }
0x64: {  	_ =	swait.ge [sflag:s10], $0x4000  }
0x65: {  	[sflag:s10] =	ssyncset.done $0x0  }
0x66: {  	[sflag:s10] =	ssyncadd.s32 $0xFFFFC000  }
0x67: {  	_ =	swait.ge [sflag:s17], $0x4000  }
0x68: {  	[sflag:s17] =	ssyncset.done $0x0  }
0x69: {  	[sflag:s17] =	ssyncadd.s32 $0xFFFFC000  }
0x6a: {  	[hbm4b:s4+s5] =	stream.strided.scatter [tilespmem:s11], [sflag:$0x7], $0x4000, s9, s5, $0x38;
	[tilespmem:$0x10400] =	vst v63  }
0x6b: {  	_ =	swait.ge [sflag:s10], $0x4000  }
0x6c: {  	[sflag:s10] =	ssyncset.done $0x0  }
0x6d: {  	[sflag:s10] =	ssyncadd.s32 $0xFFFFC000  }
0x6e: {  	p1 =	sne.s32 s24, $0x1;
	_ =	swait.ge [sflag:s14], $0x4000  }
.Ltmp1:
0x6f: {  	[sflag:s14] =	ssyncset.done $0x0;
	(pc) =	sbr.rel @!p1 .LBB2_3-.Ltmp1, $4  }
0x70: {  	[sflag:s14] =	ssyncadd.s32 $0xFFFFC000  }
0x71: {  	[hbm4b:s3+s5] =	stream.strided.scatter [tilespmem:s7], [sflag:$0x7], $0x4000, s9, s5, $0x38;
	[tilespmem:$0x10400] =	vst v63  }
0x72: {  	p0 =	por $0x1, $0x1;
	_ =	swait.ge [sflag:s10], $0x4000  }
0x73: {  	s0 =	sadd.s32 $0xFFFFFFFF, s24;
	s1 =	rddreg [dreg:$0x6];
	[sflag:s10] =	ssyncset.done $0x0  }
.LBB2_4:
0x74: {  	[sflag:s10] =	ssyncadd.s32 $0xFFFFC000  }
0x75: {  	[tilespmem:s19], [sflag:$0x5] =	stream.linear.gather [hbm4b:s1+s19], $0x100, $0x38;
	[tilespmem:$0x10400] =	vst v63  }
0x76: {  	s24 =	rddreg [dreg:$0x7]  }
0x77: {  	[tilespmem:s28], [sflag:$0x5] =	stream.linear.gather [hbm4b:s24+s19], $0x100, $0x38;
	[tilespmem:$0x10400] =	vst v63  }
0x78: {  	s1 =	rddreg [dreg:$0x8]  }
0x79: {  	[tilespmem:s25], [sflag:$0x6] =	stream.linear.gather [hbm4b:s1+s19], $0x100, $0x38;
	[tilespmem:$0x10400] =	vst v63  }
0x7a: {  	s24 =	rddreg [dreg:$0x9]  }
0x7b: {  	[tilespmem:s20], [sflag:$0x6] =	stream.linear.gather [hbm4b:s24+s19], $0x100, $0x38;
	[tilespmem:$0x10400] =	vst v63  }
0x7c: {  	_ =	swait.ge [sflag:s31], $0x100  }
0x7d: {  	[sflag:s31] =	ssyncset.done $0x0  }
0x7e: {  	[sflag:s31] =	ssyncadd.s32 $0xFFFFFF00  }
0x7f: {  	_ =	swait.ge [sflag:s31], $0x100  }
0x80: {  	[sflag:s31] =	ssyncset.done $0x0  }
0x81: {  	[sflag:s31] =	ssyncadd.s32 $0xFFFFFF00  }
0x82: {  	[tilespmem:s5], [sflag:$0x1] =	stream.indirect.gather [hbm4b:s8+s16], $0x80, s19, s16, $0xb8;
	[tilespmem:$0x10400] =	vst v63  }
0x83: {  	_ = 	snop  }
0x84: {  	[tilespmem:s13], [sflag:$0x2] =	stream.indirect.gather [hbm4b:s8+s16], $0x80, s16, s16, $0xb8;
	[tilespmem:$0x10400] =	vst v63  }
0x85: {  	_ = 	snop  }
0x86: {  	[tilespmem:s11], [sflag:$0x3] =	stream.indirect.gather [hbm4b:s8+s16], $0x80, s28, s16, $0xb8;
	[tilespmem:$0x10400] =	vst v63  }
0x87: {  	_ =	swait.ge [sflag:s30], $0x100  }
0x88: {  	[sflag:s30] =	ssyncset.done $0x0  }
0x89: {  	[sflag:s30] =	ssyncadd.s32 $0xFFFFFF00  }
0x8a: {  	_ =	swait.ge [sflag:s30], $0x100  }
0x8b: {  	[sflag:s30] =	ssyncset.done $0x0  }
0x8c: {  	[sflag:s30] =	ssyncadd.s32 $0xFFFFFF00  }
0x8d: {  	_ =	swait.ge [sflag:s21], $0x4000  }
0x8e: {  	[sflag:s21] =	ssyncset.done $0x0  }
0x8f: {  	s24 =	simm.s32 $0x180;
	[sflag:s21] =	ssyncadd.s32 $0xFFFFC000  }
0x90: {  	[tilespmem:s7], [sflag:$0x4] =	stream.indirect.gather [hbm4b:s8+s16], $0x80, s24, s16, $0xb8;
	[tilespmem:$0x10400] =	vst v63  }
0x91: {  	_ = 	snop  }
0x92: {  	[hbm4b:s23+s5] =	stream.strided.scatter [tilespmem:s5], [sflag:$0x7], $0x4000, s9, s5, $0x38;
	[tilespmem:$0x10400] =	vst v63  }
0x93: {  	_ =	swait.ge [sflag:s10], $0x4000  }
0x94: {  	[sflag:s10] =	ssyncset.done $0x0  }
0x95: {  	[sflag:s10] =	ssyncadd.s32 $0xFFFFC000  }
0x96: {  	_ =	swait.ge [sflag:s22], $0x4000  }
0x97: {  	[sflag:s22] =	ssyncset.done $0x0  }
0x98: {  	[sflag:s22] =	ssyncadd.s32 $0xFFFFC000  }
0x99: {  	[tilespmem:s5], [sflag:$0x1] =	stream.indirect.gather [hbm4b:s2+s16], $0x80, s25, s16, $0xb8;
	[tilespmem:$0x10400] =	vst v63  }
0x9a: {  	s24 =	rddreg [dreg:$0xa]  }
0x9b: {  	[hbm4b:s24+s5] =	stream.strided.scatter [tilespmem:s13], [sflag:$0x7], $0x4000, s9, s5, $0x38;
	[tilespmem:$0x10400] =	vst v63  }
0x9c: {  	_ =	swait.ge [sflag:s10], $0x4000  }
0x9d: {  	[sflag:s10] =	ssyncset.done $0x0  }
0x9e: {  	[sflag:s10] =	ssyncadd.s32 $0xFFFFC000  }
0x9f: {  	_ =	swait.ge [sflag:s17], $0x4000  }
0xa0: {  	[sflag:s17] =	ssyncset.done $0x0  }
0xa1: {  	[sflag:s17] =	ssyncadd.s32 $0xFFFFC000  }
0xa2: {  	[tilespmem:s13], [sflag:$0x2] =	stream.indirect.gather [hbm4b:s2+s16], $0x80, s29, s16, $0xb8;
	[tilespmem:$0x10400] =	vst v63  }
0xa3: {  	_ = 	snop  }
0xa4: {  	[hbm4b:s18+s5] =	stream.strided.scatter [tilespmem:s11], [sflag:$0x7], $0x4000, s9, s5, $0x38;
	[tilespmem:$0x10400] =	vst v63  }
0xa5: {  	_ =	swait.ge [sflag:s10], $0x4000  }
0xa6: {  	[sflag:s10] =	ssyncset.done $0x0  }
0xa7: {  	[sflag:s10] =	ssyncadd.s32 $0xFFFFC000  }
0xa8: {  	_ =	swait.ge [sflag:s14], $0x4000  }
0xa9: {  	[sflag:s14] =	ssyncset.done $0x0  }
0xaa: {  	[sflag:s14] =	ssyncadd.s32 $0xFFFFC000  }
0xab: {  	[tilespmem:s11], [sflag:$0x3] =	stream.indirect.gather [hbm4b:s2+s16], $0x80, s20, s16, $0xb8;
	[tilespmem:$0x10400] =	vst v63  }
0xac: {  	_ = 	snop  }
0xad: {  	[hbm4b:s15+s5] =	stream.strided.scatter [tilespmem:s7], [sflag:$0x7], $0x4000, s9, s5, $0x38;
	[tilespmem:$0x10400] =	vst v63  }
0xae: {  	_ =	swait.ge [sflag:s10], $0x4000  }
0xaf: {  	[sflag:s10] =	ssyncset.done $0x0  }
0xb0: {  	[sflag:s10] =	ssyncadd.s32 $0xFFFFC000  }
0xb1: {  	_ =	swait.ge [sflag:s21], $0x4000  }
0xb2: {  	[sflag:s21] =	ssyncset.done $0x0  }
0xb3: {  	[sflag:s21] =	ssyncadd.s32 $0xFFFFC000  }
0xb4: {  	[tilespmem:s7], [sflag:$0x4] =	stream.indirect.gather [hbm4b:s2+s16], $0x80, s26, s16, $0xb8;
	[tilespmem:$0x10400] =	vst v63  }
0xb5: {  	_ = 	snop  }
0xb6: {  	[hbm4b:s12+s5] =	stream.strided.scatter [tilespmem:s5], [sflag:$0x7], $0x4000, s9, s5, $0x38;
	[tilespmem:$0x10400] =	vst v63  }
0xb7: {  	_ =	swait.ge [sflag:s10], $0x4000  }
0xb8: {  	[sflag:s10] =	ssyncset.done $0x0  }
0xb9: {  	[sflag:s10] =	ssyncadd.s32 $0xFFFFC000  }
0xba: {  	_ =	swait.ge [sflag:s22], $0x4000  }
0xbb: {  	[sflag:s22] =	ssyncset.done $0x0  }
0xbc: {  	[sflag:s22] =	ssyncadd.s32 $0xFFFFC000  }
0xbd: {  	[hbm4b:s6+s5] =	stream.strided.scatter [tilespmem:s13], [sflag:$0x7], $0x4000, s9, s5, $0x38;
	[tilespmem:$0x10400] =	vst v63  }
0xbe: {  	_ =	swait.ge [sflag:s10], $0x4000  }
0xbf: {  	[sflag:s10] =	ssyncset.done $0x0  }
0xc0: {  	[sflag:s10] =	ssyncadd.s32 $0xFFFFC000  }
0xc1: {  	_ =	swait.ge [sflag:s17], $0x4000  }
0xc2: {  	[sflag:s17] =	ssyncset.done $0x0  }
0xc3: {  	[sflag:s17] =	ssyncadd.s32 $0xFFFFC000  }
0xc4: {  	[hbm4b:s4+s5] =	stream.strided.scatter [tilespmem:s11], [sflag:$0x7], $0x4000, s9, s5, $0x38;
	[tilespmem:$0x10400] =	vst v63  }
0xc5: {  	_ =	swait.ge [sflag:s10], $0x4000  }
0xc6: {  	[sflag:s10] =	ssyncset.done $0x0  }
0xc7: {  	[sflag:s10] =	ssyncadd.s32 $0xFFFFC000  }
0xc8: {  	p1 =	sne.s32 s0, $0x1;
	_ =	swait.ge [sflag:s14], $0x4000  }
.Ltmp2:
0xc9: {  	[sflag:s14] =	ssyncset.done $0x0;
	(pc) =	sbr.rel @p1 .LBB2_4-.Ltmp2, $4  }
0xca: {  	[sflag:s14] =	ssyncadd.s32 $0xFFFFC000  }
0xcb: {  	[hbm4b:s3+s5] =	stream.strided.scatter [tilespmem:s7], [sflag:$0x7], $0x4000, s9, s5, $0x38;
	[tilespmem:$0x10400] =	vst v63  }
0xcc: {  	_ =	swait.ge [sflag:s10], $0x4000  }
0xcd: {  	s0 =	sadd.s32 $0xFFFFFFFF, s0;
	s1 =	rddreg [dreg:$0x6];
	[sflag:s10] =	ssyncset.done $0x0  }
0xce: {  	s26 =	simm.s32 $0x180;
	s29 =	simm.s32 $0x280;
	s24 =	rddreg [dreg:$0x5]  }
.LBB2_6:
0xcf: {  	[sflag:s10] =	ssyncadd.s32 @p0 $0xFFFFC000  }
0xd0: {  	[tilespmem:s19], [sflag:$0x5] =	stream.linear.gather [hbm4b:s1+s19], $0x100, $0x38;
	[tilespmem:$0x10400] =	vst v63  }
0xd1: {  	s0 =	rddreg [dreg:$0x7]  }
0xd2: {  	[tilespmem:s28], [sflag:$0x5] =	stream.linear.gather [hbm4b:s0+s19], $0x100, $0x38;
	[tilespmem:$0x10400] =	vst v63  }
0xd3: {  	s1 =	rddreg [dreg:$0x8]  }
0xd4: {  	[tilespmem:s25], [sflag:$0x6] =	stream.linear.gather [hbm4b:s1+s19], $0x100, $0x38;
	[tilespmem:$0x10400] =	vst v63  }
0xd5: {  	s0 =	rddreg [dreg:$0x9]  }
0xd6: {  	[tilespmem:s20], [sflag:$0x6] =	stream.linear.gather [hbm4b:s0+s19], $0x100, $0x38;
	[tilespmem:$0x10400] =	vst v63  }
0xd7: {  	_ =	swait.ge [sflag:s31], $0x100  }
0xd8: {  	[sflag:s31] =	ssyncset.done $0x0  }
0xd9: {  	[sflag:s31] =	ssyncadd.s32 $0xFFFFFF00  }
0xda: {  	_ =	swait.ge [sflag:s31], $0x100  }
0xdb: {  	[sflag:s31] =	ssyncset.done $0x0  }
0xdc: {  	[sflag:s31] =	ssyncadd.s32 $0xFFFFFF00  }
0xdd: {  	[tilespmem:s5], [sflag:$0x1] =	stream.indirect.gather [hbm4b:s8+s16], $0x80, s19, s16, $0xb8;
	[tilespmem:$0x10400] =	vst v63  }
0xde: {  	_ = 	snop  }
0xdf: {  	[tilespmem:s13], [sflag:$0x2] =	stream.indirect.gather [hbm4b:s8+s16], $0x80, s16, s16, $0xb8;
	[tilespmem:$0x10400] =	vst v63  }
0xe0: {  	_ = 	snop  }
0xe1: {  	[tilespmem:s11], [sflag:$0x3] =	stream.indirect.gather [hbm4b:s8+s16], $0x80, s28, s16, $0xb8;
	[tilespmem:$0x10400] =	vst v63  }
0xe2: {  	_ =	swait.ge [sflag:s30], $0x100  }
0xe3: {  	[sflag:s30] =	ssyncset.done $0x0  }
0xe4: {  	[sflag:s30] =	ssyncadd.s32 $0xFFFFFF00  }
0xe5: {  	_ =	swait.ge [sflag:s30], $0x100  }
0xe6: {  	[sflag:s30] =	ssyncset.done $0x0  }
0xe7: {  	[sflag:s30] =	ssyncadd.s32 $0xFFFFFF00  }
0xe8: {  	_ =	swait.ge [sflag:s21], $0x4000  }
0xe9: {  	[sflag:s21] =	ssyncset.done $0x0  }
0xea: {  	[sflag:s21] =	ssyncadd.s32 $0xFFFFC000  }
0xeb: {  	[tilespmem:s7], [sflag:$0x4] =	stream.indirect.gather [hbm4b:s8+s16], $0x80, s26, s16, $0xb8;
	[tilespmem:$0x10400] =	vst v63  }
0xec: {  	_ = 	snop  }
0xed: {  	[hbm4b:s23+s5] =	stream.strided.scatter [tilespmem:s5], [sflag:$0x7], $0x4000, s9, s5, $0x38;
	[tilespmem:$0x10400] =	vst v63  }
0xee: {  	_ =	swait.ge [sflag:s10], $0x4000  }
0xef: {  	[sflag:s10] =	ssyncset.done $0x0  }
0xf0: {  	[sflag:s10] =	ssyncadd.s32 $0xFFFFC000  }
0xf1: {  	_ =	swait.ge [sflag:s22], $0x4000  }
0xf2: {  	[sflag:s22] =	ssyncset.done $0x0  }
0xf3: {  	[sflag:s22] =	ssyncadd.s32 $0xFFFFC000  }
0xf4: {  	[tilespmem:s5], [sflag:$0x1] =	stream.indirect.gather [hbm4b:s2+s16], $0x80, s25, s16, $0xb8;
	[tilespmem:$0x10400] =	vst v63  }
0xf5: {  	s28 =	rddreg [dreg:$0xa]  }
0xf6: {  	[hbm4b:s28+s5] =	stream.strided.scatter [tilespmem:s13], [sflag:$0x7], $0x4000, s9, s5, $0x38;
	[tilespmem:$0x10400] =	vst v63  }
0xf7: {  	_ =	swait.ge [sflag:s10], $0x4000  }
0xf8: {  	[sflag:s10] =	ssyncset.done $0x0  }
0xf9: {  	[sflag:s10] =	ssyncadd.s32 $0xFFFFC000  }
0xfa: {  	_ =	swait.ge [sflag:s17], $0x4000  }
0xfb: {  	[sflag:s17] =	ssyncset.done $0x0  }
0xfc: {  	[sflag:s17] =	ssyncadd.s32 $0xFFFFC000  }
0xfd: {  	[tilespmem:s13], [sflag:$0x2] =	stream.indirect.gather [hbm4b:s2+s16], $0x80, s29, s16, $0xb8;
	[tilespmem:$0x10400] =	vst v63  }
0xfe: {  	_ = 	snop  }
0xff: {  	[hbm4b:s18+s5] =	stream.strided.scatter [tilespmem:s11], [sflag:$0x7], $0x4000, s9, s5, $0x38;
	[tilespmem:$0x10400] =	vst v63  }
0x100: {  	_ =	swait.ge [sflag:s10], $0x4000  }
0x101: {  	[sflag:s10] =	ssyncset.done $0x0  }
0x102: {  	[sflag:s10] =	ssyncadd.s32 $0xFFFFC000  }
0x103: {  	_ =	swait.ge [sflag:s14], $0x4000  }
0x104: {  	[sflag:s14] =	ssyncset.done $0x0  }
0x105: {  	[sflag:s14] =	ssyncadd.s32 $0xFFFFC000  }
0x106: {  	[tilespmem:s11], [sflag:$0x3] =	stream.indirect.gather [hbm4b:s2+s16], $0x80, s20, s16, $0xb8;
	[tilespmem:$0x10400] =	vst v63  }
0x107: {  	_ = 	snop  }
0x108: {  	[hbm4b:s15+s5] =	stream.strided.scatter [tilespmem:s7], [sflag:$0x7], $0x4000, s9, s5, $0x38;
	[tilespmem:$0x10400] =	vst v63  }
0x109: {  	_ =	swait.ge [sflag:s10], $0x4000  }
0x10a: {  	[sflag:s10] =	ssyncset.done $0x0  }
0x10b: {  	[sflag:s10] =	ssyncadd.s32 $0xFFFFC000  }
0x10c: {  	_ =	swait.ge [sflag:s21], $0x4000  }
0x10d: {  	[sflag:s21] =	ssyncset.done $0x0  }
0x10e: {  	s30 =	simm.s32 $0x380;
	[sflag:s21] =	ssyncadd.s32 $0xFFFFC000  }
0x10f: {  	[tilespmem:s7], [sflag:$0x4] =	stream.indirect.gather [hbm4b:s2+s16], $0x80, s30, s16, $0xb8;
	[tilespmem:$0x10400] =	vst v63  }
0x110: {  	_ = 	snop  }
0x111: {  	[hbm4b:s12+s5] =	stream.strided.scatter [tilespmem:s5], [sflag:$0x7], $0x4000, s9, s5, $0x38;
	[tilespmem:$0x10400] =	vst v63  }
0x112: {  	_ =	swait.ge [sflag:s10], $0x4000  }
0x113: {  	[sflag:s10] =	ssyncset.done $0x0  }
0x114: {  	[sflag:s10] =	ssyncadd.s32 $0xFFFFC000  }
0x115: {  	_ =	swait.ge [sflag:s22], $0x4000  }
0x116: {  	[sflag:s22] =	ssyncset.done $0x0  }
0x117: {  	[sflag:s22] =	ssyncadd.s32 $0xFFFFC000  }
0x118: {  	[hbm4b:s6+s5] =	stream.strided.scatter [tilespmem:s13], [sflag:$0x7], $0x4000, s9, s5, $0x38;
	[tilespmem:$0x10400] =	vst v63  }
0x119: {  	_ =	swait.ge [sflag:s10], $0x4000  }
0x11a: {  	[sflag:s10] =	ssyncset.done $0x0  }
0x11b: {  	[sflag:s10] =	ssyncadd.s32 $0xFFFFC000  }
0x11c: {  	_ =	swait.ge [sflag:s17], $0x4000  }
0x11d: {  	[sflag:s17] =	ssyncset.done $0x0  }
0x11e: {  	[sflag:s17] =	ssyncadd.s32 $0xFFFFC000  }
0x11f: {  	[hbm4b:s4+s5] =	stream.strided.scatter [tilespmem:s11], [sflag:$0x7], $0x4000, s9, s5, $0x38;
	[tilespmem:$0x10400] =	vst v63  }
0x120: {  	_ =	swait.ge [sflag:s10], $0x4000  }
0x121: {  	[sflag:s10] =	ssyncset.done $0x0  }
0x122: {  	[sflag:s10] =	ssyncadd.s32 $0xFFFFC000  }
0x123: {  	_ =	swait.ge [sflag:s14], $0x4000  }
0x124: {  	[sflag:s14] =	ssyncset.done $0x0  }
0x125: {  	[sflag:s14] =	ssyncadd.s32 $0xFFFFC000  }
0x126: {  	[hbm4b:s3+s5] =	stream.strided.scatter [tilespmem:s7], [sflag:$0x7], $0x4000, s9, s5, $0x38;
	[tilespmem:$0x10400] =	vst v63  }
0x127: {  	_ =	swait.ge [sflag:s10], $0x4000  }
0x128: {  	[sflag:s10] =	ssyncset.done $0x0  }
0x129: {  	[sflag:s10] =	ssyncadd.s32 $0xFFFFC000  }
0x12a: {  	_ =	sfence.sel $0x180000  }
0x12b: {  	s31 =	stileid.u32;
	[bflag:$0x0] =	sbarrier.arrive $0xFFFF  }
0x12c: {  	p0 =	sne.s32 s31, $0x0;
	_ =	strace $0x90000047  }
0x12d: {  	s0 =	sadd.s32 @!p0 $0x100000, s24;
	[bflag:$0x2] =	sbarrier.arrive $0xFFFF  }
0x12e: {  	[sflag:s0] =	ssyncadd.tile.s32 @!p0 $0x1;
	_ =	shalt  }
.LBB2_1:
.Ltmp3:
0x12f: {  	(pc) =	sbr.rel .LBB2_6-.Ltmp3, $2  }
0x130: {  	_ =	sdelay $0x2  }
0x131: {  	s26 =	simm.s32 $0x180;
	s29 =	simm.s32 $0x280  }
.LBB2_3:
.Ltmp4:
0x132: {  	(pc) =	sbr.rel .LBB2_6-.Ltmp4, $2  }
0x133: {  	_ =	sdelay $0x2  }
0x134: {  	s26 =	simm.s32 $0x180;
	s29 =	simm.s32 $0x280;
	s24 =	rddreg [dreg:$0x5]  }
.Lfunc_end2:
_tile_overlayer_lowered:
.L_overlay_start_2:
0x135: {  	(tag) =	ssettag $0x2  }
0x136: {  	s0 =	rddreg [dreg:$0x0];
	s2 =	stileid.u32  }
0x137: {  	s1 =	rddreg [dreg:$0x1];
	p0 =	sne.s32 s2, $0x0  }
0x138: {  	s3 =	rddreg [dreg:$0x2];
	[bflag:$0x3] =	sbarrier.arrive $0xFFFF;
	s2 =	simm.s32 @!p0 $0x1C07  }
0x139: {  	[timem:s3], [sflag:s2] =	dma.local @!p0 [hbm:s0], s1  }
0x13a: {  	s0 =	simm.s32 @!p0 $0x7  }
0x13b: {  	_ =	swait.ge @!p0 [sflag:s0], s1  }
0x13c: {  	s1 =	ssub.s32 @!p0 $0x0, s1;
	[sflag:s0] =	ssyncset.done @!p0 $0x0  }
0x13d: {  	[sflag:s0] =	ssyncadd.s32 @!p0 s1  }
0x13e: {  	[bflag:$0x3] =	sbarrier.arrive $0xFFFF  }
0x13f: {  	_ =	shalt  }

</sc_bundles>
